<compile_context>
chip_gen: v7x
topology: tpu7x:2x2x1
jax: 0.10.2.dev20260603
libtpu: 0.0.44.dev20260713+nightly
codegen_flags: <defaults>
</compile_context>

<pallas_src>
import functools

import jax
import jax.numpy as jnp
from jax import lax
from jax.experimental import pallas as pl
from jax.experimental.pallas import tpu as pltpu
from jax.experimental.pallas import tpu_sc as plsc

N = 10000
E = 320000
F = 128

_NC = 2
_NS = 16
_L = 16
_NW = _NC * _NS
_EPT = (E // (_NW * 128)) * 128
_REM = E - _NW * _EPT
_RBASE = _NW * _EPT
_NCHUNK = 3
_CSZ = _EPT // _NCHUNK
_UNROLL = 4


def _proj_body(att_ref, ns_ref, sp_ref, tp_ref):
    r = lax.dot_general(
        att_ref[...],
        ns_ref[...],
        dimension_numbers=(((1,), (1,)), ((), ())),
        preferred_element_type=jnp.float32,
    )
    sp_ref[...] = r[0]
    tp_ref[...] = r[1]


def _project(att2, node_signal):
    return pl.pallas_call(
        _proj_body,
        out_shape=[
            jax.ShapeDtypeStruct((N,), jnp.float32),
            jax.ShapeDtypeStruct((N,), jnp.float32),
        ],
    )(att2, node_signal)


@functools.partial(
    pl.kernel,
    out_type=jax.ShapeDtypeStruct((E,), jnp.float32),
    mesh=plsc.VectorSubcoreMesh(core_axis_name="c", subcore_axis_name="s"),
    compiler_params=pltpu.CompilerParams(needs_layout_passes=False),
    scratch_types=[
        pltpu.VMEM((N,), jnp.float32),
        pltpu.VMEM((N,), jnp.float32),
        pltpu.VMEM((2, _EPT + _REM), jnp.int32),
        pltpu.VMEM((_EPT + _REM,), jnp.float32),
        pltpu.VMEM_SHARED((N,), jnp.float32),
        pltpu.VMEM_SHARED((N,), jnp.float32),
        pltpu.SemaphoreType.DMA,
        [pltpu.SemaphoreType.DMA] * _NCHUNK,
        pltpu.SemaphoreType.DMA,
        pltpu.SemaphoreType.DMA,
    ],
)
def _edge_sc(sp_hbm, tp_hbm, ei_hbm, out_hbm,
             sp_v, tp_v, ev_v, out_v, sh_sp, sh_tp,
             sem_t, sem_ev, sem_out, sem_rem):
    wid = lax.axis_index("s") * _NC + lax.axis_index("c")
    base = pl.multiple_of(wid * _EPT, 128)
    last = wid == _NW - 1

    sid = lax.axis_index("s")
    ev_copies = []
    for j in range(_NCHUNK):
        ev_copies.append(pltpu.async_copy(
            ei_hbm.at[:, pl.ds(base + j * _CSZ, _CSZ)],
            ev_v.at[:, pl.ds(j * _CSZ, _CSZ)], sem_ev[j]))

    @pl.when(last)
    def _start_rem():
        pltpu.async_copy(ei_hbm.at[:, pl.ds(_RBASE, _REM)],
                         ev_v.at[:, pl.ds(_EPT, _REM)], sem_rem)

    @pl.when(sid == 0)
    def _stage_tables():
        pltpu.async_copy(sp_hbm, sh_sp, sem_t)
        pltpu.async_copy(tp_hbm, sh_tp, sem_t)
        pltpu.make_async_copy(sp_hbm, sh_sp, sem_t).wait()
        pltpu.make_async_copy(tp_hbm, sh_tp, sem_t).wait()

    plsc.subcore_barrier()
    pltpu.async_copy(sh_sp, sp_v, sem_t)
    pltpu.async_copy(sh_tp, tp_v, sem_t)
    pltpu.make_async_copy(sh_sp, sp_v, sem_t).wait()
    pltpu.make_async_copy(sh_tp, tp_v, sem_t).wait()

    def gather16(off):
        s = plsc.load_gather(sp_v, [ev_v[0, pl.ds(off, _L)]])
        t = plsc.load_gather(tp_v, [ev_v[1, pl.ds(off, _L)]])
        out_v[pl.ds(off, _L)] = jnp.maximum(s + t, 0.0)

    for j in range(_NCHUNK):
        ev_copies[j].wait()

        @plsc.parallel_loop(j * _CSZ, (j + 1) * _CSZ, _L, unroll=_UNROLL)
        def _chunk(i):
            gather16(pl.multiple_of(i, _L))

        pltpu.async_copy(out_v.at[pl.ds(j * _CSZ, _CSZ)],
                         out_hbm.at[pl.ds(base + j * _CSZ, _CSZ)], sem_out)

    @pl.when(last)
    def _finish_rem():
        pltpu.make_async_copy(ei_hbm.at[:, pl.ds(_RBASE, _REM)],
                              ev_v.at[:, pl.ds(_EPT, _REM)], sem_rem).wait()

        @plsc.parallel_loop(_EPT, _EPT + _REM, _L, unroll=_UNROLL)
        def _rem(i):
            gather16(pl.multiple_of(i, _L))

        pltpu.async_copy(out_v.at[pl.ds(_EPT, _REM)],
                         out_hbm.at[pl.ds(_RBASE, _REM)], sem_out)
        pltpu.make_async_copy(out_v.at[pl.ds(_EPT, _REM)],
                              out_hbm.at[pl.ds(_RBASE, _REM)], sem_out).wait()

    for j in range(_NCHUNK):
        pltpu.make_async_copy(out_v.at[pl.ds(j * _CSZ, _CSZ)],
                              out_hbm.at[pl.ds(base + j * _CSZ, _CSZ)],
                              sem_out).wait()


@jax.jit
def kernel(node_signal, edge_index, att):
    att2 = att.reshape(2, F)
    sp, tp = _project(att2, node_signal)
    return _edge_sc(sp, tp, edge_index).reshape(E, 1)

# --- scband reference (transcript-rebuilt; emitter-appended) ---
"""Pipeline reference for scband-lift-layer-2937757631157 (READ-ONLY COPY).

The authoritative reference and input builder live on the scoring server;
editing this copy changes nothing except your own understanding.
"""

import jax, jax.numpy as jnp
import numpy as np

N = 10000
E = 320000
F_IN = 128


def setup_inputs(seed: int = 0) -> dict:
    key = jax.random.key(seed)
    k1, k2, k3 = jax.random.split(key, 3)
    node_signal = jax.random.normal(k1, (N, F_IN), dtype=jnp.float32)
    edge_index = jax.random.randint(k2, (2, E), 0, N, dtype=jnp.int32)
    # Xavier uniform init with relu gain for att: shape (2*F_in, 1)
    gain = float(np.sqrt(2.0))
    fan_in, fan_out = 2 * F_IN, 1
    a = gain * float(np.sqrt(6.0 / (fan_in + fan_out)))
    att = jax.random.uniform(k3, (2 * F_IN, 1), dtype=jnp.float32, minval=-a, maxval=a)
    return {"node_signal": node_signal, "edge_index": edge_index, "att": att}


def reference(node_signal, edge_index, att):
    # 1. Extract source and target nodes from edge_index
    source = edge_index[0]
    target = edge_index[1]
    # 2. Concatenate source and target node feature vectors (gathers)
    node_features_stacked = jnp.concatenate(
        (jnp.take(node_signal, source, axis=0), jnp.take(node_signal, target, axis=0)),
        axis=1,
    )
    # 3. Edge signal = activation(stacked @ att)
    edge_signal = jax.nn.relu(node_features_stacked @ att)
    return edge_signal

if __name__ == "__main__":
    import jax
    _d = setup_inputs()
    print(jax.jit(kernel)(*tuple(_d.values())))

</pallas_src>

<mosaic_0001>
#map = affine_map<(d0, d1) -> (0)>
#map1 = affine_map<(d0, d1) -> (0, 0)>
module attributes {stable_mosaic.version = 14 : i64} {
  func.func @_edge_sc(%arg0: i32, %arg1: i32, %arg2: memref<10000xf32, #tpu.memory_space<hbm>>, %arg3: memref<10000xf32, #tpu.memory_space<hbm>>, %arg4: memref<2x320000xi32, #tpu.memory_space<hbm>>, %arg5: memref<320000xf32, #tpu.memory_space<hbm>>, %arg6: memref<10000xf32, #tpu.memory_space<vmem>>, %arg7: memref<10000xf32, #tpu.memory_space<vmem>>, %arg8: memref<2x10496xi32, #tpu.memory_space<vmem>>, %arg9: memref<10496xf32, #tpu.memory_space<vmem>>, %arg10: memref<10000xf32, #tpu.memory_space<vmem_shared>>, %arg11: memref<10000xf32, #tpu.memory_space<vmem_shared>>, %arg12: memref<!tpu.dma_semaphore, #tpu.memory_space<semaphore_mem>>, %arg13: memref<!tpu.dma_semaphore, #tpu.memory_space<semaphore_mem>>, %arg14: memref<!tpu.dma_semaphore, #tpu.memory_space<semaphore_mem>>, %arg15: memref<!tpu.dma_semaphore, #tpu.memory_space<semaphore_mem>>, %arg16: memref<!tpu.dma_semaphore, #tpu.memory_space<semaphore_mem>>, %arg17: memref<!tpu.dma_semaphore, #tpu.memory_space<semaphore_mem>>) attributes {dimension_semantics = [#tpu.dimension_semantics<core_parallel>, #tpu.dimension_semantics<subcore_parallel>], iteration_bounds = array<i64: 2, 16>, scalar_prefetch = 0 : i64, scratch_operands = 12 : i64, tpu.core_type = #tpu.core_type<sc_vector_subcore>, window_params = [{transform_indices = #map}, {transform_indices = #map}, {transform_indices = #map1}, {transform_indices = #map}]} {
    %mul3A = arith.constant 2 : i32
    %mul3A_0 = arith.muli %arg1, %mul3A : i32
    %add3A = arith.addi %mul3A_0, %arg0 : i32
    %mul3A_1 = arith.constant 9984 : i32
    %mul3A_2 = arith.muli %add3A, %mul3A_1 : i32
    %multiple_of3A = tpu.assume_multiple %mul3A_2, 128 : i32
    %eq3A = arith.constant 31 : i32
    %eq3A_3 = arith.cmpi eq, %add3A, %eq3A : i32
    %add3A_4 = arith.constant 0 : i32
    %add3A_5 = arith.addi %multiple_of3A, %add3A_4 : i32
    %dma_start3A = arith.constant 0 : i32
    %dma_start3A_6 = arith.constant 0 : i32
    %dma_start3A_7 = tpu.memref_slice %arg8[%dma_start3A, %dma_start3A_6] : memref<2x10496xi32, #tpu.memory_space<vmem>> -> memref<2x3328xi32, #tpu.memory_space<vmem>>
    %dma_start3A_8 = arith.constant 0 : i32
    %dma_start3A_9 = tpu.memref_slice %arg4[%dma_start3A_8, %add3A_5] : memref<2x320000xi32, #tpu.memory_space<hbm>> -> memref<2x3328xi32, #tpu.memory_space<hbm>>
    %dma_start3A_10 = arith.constant 0 : i32
    %dma_start3A_11 = arith.constant 0 : i32
    %dma_start3A_12 = tpu.memref_slice %arg8[%dma_start3A_10, %dma_start3A_11] : memref<2x10496xi32, #tpu.memory_space<vmem>> -> memref<2x3328xi32, #tpu.memory_space<vmem>>
    %dma_start3A_13 = arith.constant 0 : i32
    %dma_start3A_14 = tpu.memref_slice %arg4[%dma_start3A_13, %add3A_5] : memref<2x320000xi32, #tpu.memory_space<hbm>> -> memref<2x3328xi32, #tpu.memory_space<hbm>>
    tpu.enqueue_dma source(%dma_start3A_14 : memref<2x3328xi32, #tpu.memory_space<hbm>>) target(%dma_start3A_12 : memref<2x3328xi32, #tpu.memory_space<vmem>>) target_semaphore(%arg13 : memref<!tpu.dma_semaphore, #tpu.memory_space<semaphore_mem>>)
    %add3A_15 = arith.constant 3328 : i32
    %add3A_16 = arith.addi %multiple_of3A, %add3A_15 : i32
    %dma_start3A_17 = arith.constant 0 : i32
    %dma_start3A_18 = arith.constant 3328 : i32
    %dma_start3A_19 = tpu.memref_slice %arg8[%dma_start3A_17, %dma_start3A_18] : memref<2x10496xi32, #tpu.memory_space<vmem>> -> memref<2x3328xi32, #tpu.memory_space<vmem>>
    %dma_start3A_20 = arith.constant 0 : i32
    %dma_start3A_21 = tpu.memref_slice %arg4[%dma_start3A_20, %add3A_16] : memref<2x320000xi32, #tpu.memory_space<hbm>> -> memref<2x3328xi32, #tpu.memory_space<hbm>>
    %dma_start3A_22 = arith.constant 0 : i32
    %dma_start3A_23 = arith.constant 3328 : i32
    %dma_start3A_24 = tpu.memref_slice %arg8[%dma_start3A_22, %dma_start3A_23] : memref<2x10496xi32, #tpu.memory_space<vmem>> -> memref<2x3328xi32, #tpu.memory_space<vmem>>
    %dma_start3A_25 = arith.constant 0 : i32
    %dma_start3A_26 = tpu.memref_slice %arg4[%dma_start3A_25, %add3A_16] : memref<2x320000xi32, #tpu.memory_space<hbm>> -> memref<2x3328xi32, #tpu.memory_space<hbm>>
    tpu.enqueue_dma source(%dma_start3A_26 : memref<2x3328xi32, #tpu.memory_space<hbm>>) target(%dma_start3A_24 : memref<2x3328xi32, #tpu.memory_space<vmem>>) target_semaphore(%arg14 : memref<!tpu.dma_semaphore, #tpu.memory_space<semaphore_mem>>)
    %add3A_27 = arith.constant 6656 : i32
    %add3A_28 = arith.addi %multiple_of3A, %add3A_27 : i32
    %dma_start3A_29 = arith.constant 0 : i32
    %dma_start3A_30 = arith.constant 6656 : i32
    %dma_start3A_31 = tpu.memref_slice %arg8[%dma_start3A_29, %dma_start3A_30] : memref<2x10496xi32, #tpu.memory_space<vmem>> -> memref<2x3328xi32, #tpu.memory_space<vmem>>
    %dma_start3A_32 = arith.constant 0 : i32
    %dma_start3A_33 = tpu.memref_slice %arg4[%dma_start3A_32, %add3A_28] : memref<2x320000xi32, #tpu.memory_space<hbm>> -> memref<2x3328xi32, #tpu.memory_space<hbm>>
    %dma_start3A_34 = arith.constant 0 : i32
    %dma_start3A_35 = arith.constant 6656 : i32
    %dma_start3A_36 = tpu.memref_slice %arg8[%dma_start3A_34, %dma_start3A_35] : memref<2x10496xi32, #tpu.memory_space<vmem>> -> memref<2x3328xi32, #tpu.memory_space<vmem>>
    %dma_start3A_37 = arith.constant 0 : i32
    %dma_start3A_38 = tpu.memref_slice %arg4[%dma_start3A_37, %add3A_28] : memref<2x320000xi32, #tpu.memory_space<hbm>> -> memref<2x3328xi32, #tpu.memory_space<hbm>>
    tpu.enqueue_dma source(%dma_start3A_38 : memref<2x3328xi32, #tpu.memory_space<hbm>>) target(%dma_start3A_36 : memref<2x3328xi32, #tpu.memory_space<vmem>>) target_semaphore(%arg15 : memref<!tpu.dma_semaphore, #tpu.memory_space<semaphore_mem>>)
    %convert_element_type3A = arith.extui %eq3A_3 : i1 to i32
    %cond3A = arith.constant 0 : i32
    %cond3A_39 = arith.cmpi ne, %convert_element_type3A, %cond3A : i32
    scf.if %cond3A_39 {
      %dma_start3A_133 = arith.constant 0 : i32
      %dma_start3A_134 = arith.constant 9984 : i32
      %dma_start3A_135 = tpu.memref_slice %arg8[%dma_start3A_133, %dma_start3A_134] : memref<2x10496xi32, #tpu.memory_space<vmem>> -> memref<2x512xi32, #tpu.memory_space<vmem>>
      %dma_start3A_136 = arith.constant 0 : i32
      %dma_start3A_137 = arith.constant 319488 : i32
      %dma_start3A_138 = tpu.memref_slice %arg4[%dma_start3A_136, %dma_start3A_137] : memref<2x320000xi32, #tpu.memory_space<hbm>> -> memref<2x512xi32, #tpu.memory_space<hbm>>
      %dma_start3A_139 = arith.constant 0 : i32
      %dma_start3A_140 = arith.constant 9984 : i32
      %dma_start3A_141 = tpu.memref_slice %arg8[%dma_start3A_139, %dma_start3A_140] : memref<2x10496xi32, #tpu.memory_space<vmem>> -> memref<2x512xi32, #tpu.memory_space<vmem>>
      %dma_start3A_142 = arith.constant 0 : i32
      %dma_start3A_143 = arith.constant 319488 : i32
      %dma_start3A_144 = tpu.memref_slice %arg4[%dma_start3A_142, %dma_start3A_143] : memref<2x320000xi32, #tpu.memory_space<hbm>> -> memref<2x512xi32, #tpu.memory_space<hbm>>
      tpu.enqueue_dma source(%dma_start3A_144 : memref<2x512xi32, #tpu.memory_space<hbm>>) target(%dma_start3A_141 : memref<2x512xi32, #tpu.memory_space<vmem>>) target_semaphore(%arg17 : memref<!tpu.dma_semaphore, #tpu.memory_space<semaphore_mem>>)
    } else {
    }
    %eq3A_40 = arith.constant 0 : i32
    %eq3A_41 = arith.cmpi eq, %arg1, %eq3A_40 : i32
    %convert_element_type3A_42 = arith.extui %eq3A_41 : i1 to i32
    %cond3A_43 = arith.constant 0 : i32
    %cond3A_44 = arith.cmpi ne, %convert_element_type3A_42, %cond3A_43 : i32
    scf.if %cond3A_44 {
      tpu.enqueue_dma source(%arg2 : memref<10000xf32, #tpu.memory_space<hbm>>) target(%arg10 : memref<10000xf32, #tpu.memory_space<vmem_shared>>) target_semaphore(%arg12 : memref<!tpu.dma_semaphore, #tpu.memory_space<semaphore_mem>>)
      tpu.enqueue_dma source(%arg3 : memref<10000xf32, #tpu.memory_space<hbm>>) target(%arg11 : memref<10000xf32, #tpu.memory_space<vmem_shared>>) target_semaphore(%arg12 : memref<!tpu.dma_semaphore, #tpu.memory_space<semaphore_mem>>)
      tpu.wait_dma2 semaphore(%arg12 : memref<!tpu.dma_semaphore, #tpu.memory_space<semaphore_mem>>) src(%arg2 : memref<10000xf32, #tpu.memory_space<hbm>>) dst(%arg10 : memref<10000xf32, #tpu.memory_space<vmem_shared>>)
      tpu.wait_dma2 semaphore(%arg12 : memref<!tpu.dma_semaphore, #tpu.memory_space<semaphore_mem>>) src(%arg3 : memref<10000xf32, #tpu.memory_space<hbm>>) dst(%arg11 : memref<10000xf32, #tpu.memory_space<vmem_shared>>)
    } else {
    }
    %barrier3A = arith.constant 0 : index
    tpu.barrier barrier_id(%barrier3A)
    tpu.enqueue_dma source(%arg10 : memref<10000xf32, #tpu.memory_space<vmem_shared>>) target(%arg6 : memref<10000xf32, #tpu.memory_space<vmem>>) target_semaphore(%arg12 : memref<!tpu.dma_semaphore, #tpu.memory_space<semaphore_mem>>)
    tpu.enqueue_dma source(%arg11 : memref<10000xf32, #tpu.memory_space<vmem_shared>>) target(%arg7 : memref<10000xf32, #tpu.memory_space<vmem>>) target_semaphore(%arg12 : memref<!tpu.dma_semaphore, #tpu.memory_space<semaphore_mem>>)
    tpu.wait_dma2 semaphore(%arg12 : memref<!tpu.dma_semaphore, #tpu.memory_space<semaphore_mem>>) src(%arg10 : memref<10000xf32, #tpu.memory_space<vmem_shared>>) dst(%arg6 : memref<10000xf32, #tpu.memory_space<vmem>>)
    tpu.wait_dma2 semaphore(%arg12 : memref<!tpu.dma_semaphore, #tpu.memory_space<semaphore_mem>>) src(%arg11 : memref<10000xf32, #tpu.memory_space<vmem_shared>>) dst(%arg7 : memref<10000xf32, #tpu.memory_space<vmem>>)
    %dma_wait3A = arith.constant 0 : i32
    %dma_wait3A_45 = arith.constant 0 : i32
    %dma_wait3A_46 = tpu.memref_slice %arg8[%dma_wait3A, %dma_wait3A_45] : memref<2x10496xi32, #tpu.memory_space<vmem>> -> memref<2x3328xi32, #tpu.memory_space<vmem>>
    %dma_wait3A_47 = arith.constant 0 : i32
    %dma_wait3A_48 = tpu.memref_slice %arg4[%dma_wait3A_47, %add3A_5] : memref<2x320000xi32, #tpu.memory_space<hbm>> -> memref<2x3328xi32, #tpu.memory_space<hbm>>
    %dma_wait3A_49 = arith.constant 0 : i32
    %dma_wait3A_50 = arith.constant 0 : i32
    %dma_wait3A_51 = tpu.memref_slice %arg8[%dma_wait3A_49, %dma_wait3A_50] : memref<2x10496xi32, #tpu.memory_space<vmem>> -> memref<2x3328xi32, #tpu.memory_space<vmem>>
    %dma_wait3A_52 = arith.constant 0 : i32
    %dma_wait3A_53 = tpu.memref_slice %arg4[%dma_wait3A_52, %add3A_5] : memref<2x320000xi32, #tpu.memory_space<hbm>> -> memref<2x3328xi32, #tpu.memory_space<hbm>>
    tpu.wait_dma2 semaphore(%arg13 : memref<!tpu.dma_semaphore, #tpu.memory_space<semaphore_mem>>) src(%dma_wait3A_53 : memref<2x3328xi32, #tpu.memory_space<hbm>>) dst(%dma_wait3A_51 : memref<2x3328xi32, #tpu.memory_space<vmem>>)
    %parallel_loop3A = arith.constant 0 : i32
    %parallel_loop3A_54 = arith.constant 3328 : i32
    %parallel_loop3A_55 = arith.constant 16 : i32
    scf.for %parallel_loop3A_133 = %parallel_loop3A to %parallel_loop3A_54 step %parallel_loop3A_55  : i32 {
      %parallel_loop3A_134 = tpu.assume_multiple %parallel_loop3A_133, 16 : i32
      %parallel_loop3A_135 = arith.constant 0 : i32
      %parallel_loop3A_136 = arith.index_cast %parallel_loop3A_135 : i32 to index
      %parallel_loop3A_137 = arith.index_cast %parallel_loop3A_134 : i32 to index
      %parallel_loop3A_138 = tpu.vector_load %arg8[%parallel_loop3A_136, %parallel_loop3A_137] {strides = array<i32>} : memref<2x10496xi32, #tpu.memory_space<vmem>>, vector<16xi32>,
      %parallel_loop3A_139 = tpu.vector_load_idx %arg6[%parallel_loop3A_138] : memref<10000xf32, #tpu.memory_space<vmem>>[vector<16xi32>], vector<16xf32>,
      %parallel_loop3A_140 = arith.constant 1 : i32
      %parallel_loop3A_141 = arith.index_cast %parallel_loop3A_140 : i32 to index
      %parallel_loop3A_142 = arith.index_cast %parallel_loop3A_134 : i32 to index
      %parallel_loop3A_143 = tpu.vector_load %arg8[%parallel_loop3A_141, %parallel_loop3A_142] {strides = array<i32>} : memref<2x10496xi32, #tpu.memory_space<vmem>>, vector<16xi32>,
      %parallel_loop3A_144 = tpu.vector_load_idx %arg7[%parallel_loop3A_143] : memref<10000xf32, #tpu.memory_space<vmem>>[vector<16xi32>], vector<16xf32>,
      %parallel_loop3A_145 = arith.addf %parallel_loop3A_139, %parallel_loop3A_144 : vector<16xf32>
      %parallel_loop3A_146 = arith.constant 0.000000e+00 : f32
      %parallel_loop3A_147 = vector.broadcast %parallel_loop3A_146 : f32 to vector<16xf32>
      %parallel_loop3A_148 = arith.maximumf %parallel_loop3A_145, %parallel_loop3A_147 : vector<16xf32>
      %parallel_loop3A_149 = arith.index_cast %parallel_loop3A_134 : i32 to index
      %parallel_loop3A_150 = tpu.vector_load %arg9[%parallel_loop3A_149] {strides = array<i32>} : memref<10496xf32, #tpu.memory_space<vmem>>, vector<16xf32>,
      tpu.vector_store %arg9[%parallel_loop3A_149], %parallel_loop3A_148 {strides = array<i32>} : memref<10496xf32, #tpu.memory_space<vmem>>, vector<16xf32>,
    } {sc.loop_unroll_factor = 4 : i64, sc.parallel_access}
    %add3A_56 = arith.constant 0 : i32
    %add3A_57 = arith.addi %multiple_of3A, %add3A_56 : i32
    %dma_start3A_58 = arith.constant 0 : i32
    %dma_start3A_59 = tpu.memref_slice %arg9[%dma_start3A_58] : memref<10496xf32, #tpu.memory_space<vmem>> -> memref<3328xf32, #tpu.memory_space<vmem>>
    %dma_start3A_60 = tpu.memref_slice %arg5[%add3A_57] : memref<320000xf32, #tpu.memory_space<hbm>> -> memref<3328xf32, #tpu.memory_space<hbm>>
    %dma_start3A_61 = tpu.memref_slice %arg5[%add3A_57] : memref<320000xf32, #tpu.memory_space<hbm>> -> memref<3328xf32, #tpu.memory_space<hbm>>
    %dma_start3A_62 = arith.constant 0 : i32
    %dma_start3A_63 = tpu.memref_slice %arg9[%dma_start3A_62] : memref<10496xf32, #tpu.memory_space<vmem>> -> memref<3328xf32, #tpu.memory_space<vmem>>
    tpu.enqueue_dma source(%dma_start3A_63 : memref<3328xf32, #tpu.memory_space<vmem>>) target(%dma_start3A_61 : memref<3328xf32, #tpu.memory_space<hbm>>) target_semaphore(%arg16 : memref<!tpu.dma_semaphore, #tpu.memory_space<semaphore_mem>>)
    %dma_wait3A_64 = arith.constant 0 : i32
    %dma_wait3A_65 = arith.constant 3328 : i32
    %dma_wait3A_66 = tpu.memref_slice %arg8[%dma_wait3A_64, %dma_wait3A_65] : memref<2x10496xi32, #tpu.memory_space<vmem>> -> memref<2x3328xi32, #tpu.memory_space<vmem>>
    %dma_wait3A_67 = arith.constant 0 : i32
    %dma_wait3A_68 = tpu.memref_slice %arg4[%dma_wait3A_67, %add3A_16] : memref<2x320000xi32, #tpu.memory_space<hbm>> -> memref<2x3328xi32, #tpu.memory_space<hbm>>
    %dma_wait3A_69 = arith.constant 0 : i32
    %dma_wait3A_70 = arith.constant 3328 : i32
    %dma_wait3A_71 = tpu.memref_slice %arg8[%dma_wait3A_69, %dma_wait3A_70] : memref<2x10496xi32, #tpu.memory_space<vmem>> -> memref<2x3328xi32, #tpu.memory_space<vmem>>
    %dma_wait3A_72 = arith.constant 0 : i32
    %dma_wait3A_73 = tpu.memref_slice %arg4[%dma_wait3A_72, %add3A_16] : memref<2x320000xi32, #tpu.memory_space<hbm>> -> memref<2x3328xi32, #tpu.memory_space<hbm>>
    tpu.wait_dma2 semaphore(%arg14 : memref<!tpu.dma_semaphore, #tpu.memory_space<semaphore_mem>>) src(%dma_wait3A_73 : memref<2x3328xi32, #tpu.memory_space<hbm>>) dst(%dma_wait3A_71 : memref<2x3328xi32, #tpu.memory_space<vmem>>)
    %parallel_loop3A_74 = arith.constant 3328 : i32
    %parallel_loop3A_75 = arith.constant 6656 : i32
    %parallel_loop3A_76 = arith.constant 16 : i32
    scf.for %parallel_loop3A_133 = %parallel_loop3A_74 to %parallel_loop3A_75 step %parallel_loop3A_76  : i32 {
      %parallel_loop3A_134 = tpu.assume_multiple %parallel_loop3A_133, 16 : i32
      %parallel_loop3A_135 = arith.constant 0 : i32
      %parallel_loop3A_136 = arith.index_cast %parallel_loop3A_135 : i32 to index
      %parallel_loop3A_137 = arith.index_cast %parallel_loop3A_134 : i32 to index
      %parallel_loop3A_138 = tpu.vector_load %arg8[%parallel_loop3A_136, %parallel_loop3A_137] {strides = array<i32>} : memref<2x10496xi32, #tpu.memory_space<vmem>>, vector<16xi32>,
      %parallel_loop3A_139 = tpu.vector_load_idx %arg6[%parallel_loop3A_138] : memref<10000xf32, #tpu.memory_space<vmem>>[vector<16xi32>], vector<16xf32>,
      %parallel_loop3A_140 = arith.constant 1 : i32
      %parallel_loop3A_141 = arith.index_cast %parallel_loop3A_140 : i32 to index
      %parallel_loop3A_142 = arith.index_cast %parallel_loop3A_134 : i32 to index
      %parallel_loop3A_143 = tpu.vector_load %arg8[%parallel_loop3A_141, %parallel_loop3A_142] {strides = array<i32>} : memref<2x10496xi32, #tpu.memory_space<vmem>>, vector<16xi32>,
      %parallel_loop3A_144 = tpu.vector_load_idx %arg7[%parallel_loop3A_143] : memref<10000xf32, #tpu.memory_space<vmem>>[vector<16xi32>], vector<16xf32>,
      %parallel_loop3A_145 = arith.addf %parallel_loop3A_139, %parallel_loop3A_144 : vector<16xf32>
      %parallel_loop3A_146 = arith.constant 0.000000e+00 : f32
      %parallel_loop3A_147 = vector.broadcast %parallel_loop3A_146 : f32 to vector<16xf32>
      %parallel_loop3A_148 = arith.maximumf %parallel_loop3A_145, %parallel_loop3A_147 : vector<16xf32>
      %parallel_loop3A_149 = arith.index_cast %parallel_loop3A_134 : i32 to index
      %parallel_loop3A_150 = tpu.vector_load %arg9[%parallel_loop3A_149] {strides = array<i32>} : memref<10496xf32, #tpu.memory_space<vmem>>, vector<16xf32>,
      tpu.vector_store %arg9[%parallel_loop3A_149], %parallel_loop3A_148 {strides = array<i32>} : memref<10496xf32, #tpu.memory_space<vmem>>, vector<16xf32>,
    } {sc.loop_unroll_factor = 4 : i64, sc.parallel_access}
    %add3A_77 = arith.constant 3328 : i32
    %add3A_78 = arith.addi %multiple_of3A, %add3A_77 : i32
    %dma_start3A_79 = arith.constant 3328 : i32
    %dma_start3A_80 = tpu.memref_slice %arg9[%dma_start3A_79] : memref<10496xf32, #tpu.memory_space<vmem>> -> memref<3328xf32, #tpu.memory_space<vmem>>
    %dma_start3A_81 = tpu.memref_slice %arg5[%add3A_78] : memref<320000xf32, #tpu.memory_space<hbm>> -> memref<3328xf32, #tpu.memory_space<hbm>>
    %dma_start3A_82 = tpu.memref_slice %arg5[%add3A_78] : memref<320000xf32, #tpu.memory_space<hbm>> -> memref<3328xf32, #tpu.memory_space<hbm>>
    %dma_start3A_83 = arith.constant 3328 : i32
    %dma_start3A_84 = tpu.memref_slice %arg9[%dma_start3A_83] : memref<10496xf32, #tpu.memory_space<vmem>> -> memref<3328xf32, #tpu.memory_space<vmem>>
    tpu.enqueue_dma source(%dma_start3A_84 : memref<3328xf32, #tpu.memory_space<vmem>>) target(%dma_start3A_82 : memref<3328xf32, #tpu.memory_space<hbm>>) target_semaphore(%arg16 : memref<!tpu.dma_semaphore, #tpu.memory_space<semaphore_mem>>)
    %dma_wait3A_85 = arith.constant 0 : i32
    %dma_wait3A_86 = arith.constant 6656 : i32
    %dma_wait3A_87 = tpu.memref_slice %arg8[%dma_wait3A_85, %dma_wait3A_86] : memref<2x10496xi32, #tpu.memory_space<vmem>> -> memref<2x3328xi32, #tpu.memory_space<vmem>>
    %dma_wait3A_88 = arith.constant 0 : i32
    %dma_wait3A_89 = tpu.memref_slice %arg4[%dma_wait3A_88, %add3A_28] : memref<2x320000xi32, #tpu.memory_space<hbm>> -> memref<2x3328xi32, #tpu.memory_space<hbm>>
    %dma_wait3A_90 = arith.constant 0 : i32
    %dma_wait3A_91 = arith.constant 6656 : i32
    %dma_wait3A_92 = tpu.memref_slice %arg8[%dma_wait3A_90, %dma_wait3A_91] : memref<2x10496xi32, #tpu.memory_space<vmem>> -> memref<2x3328xi32, #tpu.memory_space<vmem>>
    %dma_wait3A_93 = arith.constant 0 : i32
    %dma_wait3A_94 = tpu.memref_slice %arg4[%dma_wait3A_93, %add3A_28] : memref<2x320000xi32, #tpu.memory_space<hbm>> -> memref<2x3328xi32, #tpu.memory_space<hbm>>
    tpu.wait_dma2 semaphore(%arg15 : memref<!tpu.dma_semaphore, #tpu.memory_space<semaphore_mem>>) src(%dma_wait3A_94 : memref<2x3328xi32, #tpu.memory_space<hbm>>) dst(%dma_wait3A_92 : memref<2x3328xi32, #tpu.memory_space<vmem>>)
    %parallel_loop3A_95 = arith.constant 6656 : i32
    %parallel_loop3A_96 = arith.constant 9984 : i32
    %parallel_loop3A_97 = arith.constant 16 : i32
    scf.for %parallel_loop3A_133 = %parallel_loop3A_95 to %parallel_loop3A_96 step %parallel_loop3A_97  : i32 {
      %parallel_loop3A_134 = tpu.assume_multiple %parallel_loop3A_133, 16 : i32
      %parallel_loop3A_135 = arith.constant 0 : i32
      %parallel_loop3A_136 = arith.index_cast %parallel_loop3A_135 : i32 to index
      %parallel_loop3A_137 = arith.index_cast %parallel_loop3A_134 : i32 to index
      %parallel_loop3A_138 = tpu.vector_load %arg8[%parallel_loop3A_136, %parallel_loop3A_137] {strides = array<i32>} : memref<2x10496xi32, #tpu.memory_space<vmem>>, vector<16xi32>,
      %parallel_loop3A_139 = tpu.vector_load_idx %arg6[%parallel_loop3A_138] : memref<10000xf32, #tpu.memory_space<vmem>>[vector<16xi32>], vector<16xf32>,
      %parallel_loop3A_140 = arith.constant 1 : i32
      %parallel_loop3A_141 = arith.index_cast %parallel_loop3A_140 : i32 to index
      %parallel_loop3A_142 = arith.index_cast %parallel_loop3A_134 : i32 to index
      %parallel_loop3A_143 = tpu.vector_load %arg8[%parallel_loop3A_141, %parallel_loop3A_142] {strides = array<i32>} : memref<2x10496xi32, #tpu.memory_space<vmem>>, vector<16xi32>,
      %parallel_loop3A_144 = tpu.vector_load_idx %arg7[%parallel_loop3A_143] : memref<10000xf32, #tpu.memory_space<vmem>>[vector<16xi32>], vector<16xf32>,
      %parallel_loop3A_145 = arith.addf %parallel_loop3A_139, %parallel_loop3A_144 : vector<16xf32>
      %parallel_loop3A_146 = arith.constant 0.000000e+00 : f32
      %parallel_loop3A_147 = vector.broadcast %parallel_loop3A_146 : f32 to vector<16xf32>
      %parallel_loop3A_148 = arith.maximumf %parallel_loop3A_145, %parallel_loop3A_147 : vector<16xf32>
      %parallel_loop3A_149 = arith.index_cast %parallel_loop3A_134 : i32 to index
      %parallel_loop3A_150 = tpu.vector_load %arg9[%parallel_loop3A_149] {strides = array<i32>} : memref<10496xf32, #tpu.memory_space<vmem>>, vector<16xf32>,
      tpu.vector_store %arg9[%parallel_loop3A_149], %parallel_loop3A_148 {strides = array<i32>} : memref<10496xf32, #tpu.memory_space<vmem>>, vector<16xf32>,
    } {sc.loop_unroll_factor = 4 : i64, sc.parallel_access}
    %add3A_98 = arith.constant 6656 : i32
    %add3A_99 = arith.addi %multiple_of3A, %add3A_98 : i32
    %dma_start3A_100 = arith.constant 6656 : i32
    %dma_start3A_101 = tpu.memref_slice %arg9[%dma_start3A_100] : memref<10496xf32, #tpu.memory_space<vmem>> -> memref<3328xf32, #tpu.memory_space<vmem>>
    %dma_start3A_102 = tpu.memref_slice %arg5[%add3A_99] : memref<320000xf32, #tpu.memory_space<hbm>> -> memref<3328xf32, #tpu.memory_space<hbm>>
    %dma_start3A_103 = tpu.memref_slice %arg5[%add3A_99] : memref<320000xf32, #tpu.memory_space<hbm>> -> memref<3328xf32, #tpu.memory_space<hbm>>
    %dma_start3A_104 = arith.constant 6656 : i32
    %dma_start3A_105 = tpu.memref_slice %arg9[%dma_start3A_104] : memref<10496xf32, #tpu.memory_space<vmem>> -> memref<3328xf32, #tpu.memory_space<vmem>>
    tpu.enqueue_dma source(%dma_start3A_105 : memref<3328xf32, #tpu.memory_space<vmem>>) target(%dma_start3A_103 : memref<3328xf32, #tpu.memory_space<hbm>>) target_semaphore(%arg16 : memref<!tpu.dma_semaphore, #tpu.memory_space<semaphore_mem>>)
    %convert_element_type3A_106 = arith.extui %eq3A_3 : i1 to i32
    %cond3A_107 = arith.constant 0 : i32
    %cond3A_108 = arith.cmpi ne, %convert_element_type3A_106, %cond3A_107 : i32
    scf.if %cond3A_108 {
      %dma_wait3A_133 = arith.constant 0 : i32
      %dma_wait3A_134 = arith.constant 9984 : i32
      %dma_wait3A_135 = tpu.memref_slice %arg8[%dma_wait3A_133, %dma_wait3A_134] : memref<2x10496xi32, #tpu.memory_space<vmem>> -> memref<2x512xi32, #tpu.memory_space<vmem>>
      %dma_wait3A_136 = arith.constant 0 : i32
      %dma_wait3A_137 = arith.constant 319488 : i32
      %dma_wait3A_138 = tpu.memref_slice %arg4[%dma_wait3A_136, %dma_wait3A_137] : memref<2x320000xi32, #tpu.memory_space<hbm>> -> memref<2x512xi32, #tpu.memory_space<hbm>>
      %dma_wait3A_139 = arith.constant 0 : i32
      %dma_wait3A_140 = arith.constant 9984 : i32
      %dma_wait3A_141 = tpu.memref_slice %arg8[%dma_wait3A_139, %dma_wait3A_140] : memref<2x10496xi32, #tpu.memory_space<vmem>> -> memref<2x512xi32, #tpu.memory_space<vmem>>
      %dma_wait3A_142 = arith.constant 0 : i32
      %dma_wait3A_143 = arith.constant 319488 : i32
      %dma_wait3A_144 = tpu.memref_slice %arg4[%dma_wait3A_142, %dma_wait3A_143] : memref<2x320000xi32, #tpu.memory_space<hbm>> -> memref<2x512xi32, #tpu.memory_space<hbm>>
      tpu.wait_dma2 semaphore(%arg17 : memref<!tpu.dma_semaphore, #tpu.memory_space<semaphore_mem>>) src(%dma_wait3A_144 : memref<2x512xi32, #tpu.memory_space<hbm>>) dst(%dma_wait3A_141 : memref<2x512xi32, #tpu.memory_space<vmem>>)
      %parallel_loop3A_145 = arith.constant 9984 : i32
      %parallel_loop3A_146 = arith.constant 10496 : i32
      %parallel_loop3A_147 = arith.constant 16 : i32
      scf.for %parallel_loop3A_164 = %parallel_loop3A_145 to %parallel_loop3A_146 step %parallel_loop3A_147  : i32 {
        %parallel_loop3A_165 = tpu.assume_multiple %parallel_loop3A_164, 16 : i32
        %parallel_loop3A_166 = arith.constant 0 : i32
        %parallel_loop3A_167 = arith.index_cast %parallel_loop3A_166 : i32 to index
        %parallel_loop3A_168 = arith.index_cast %parallel_loop3A_165 : i32 to index
        %parallel_loop3A_169 = tpu.vector_load %arg8[%parallel_loop3A_167, %parallel_loop3A_168] {strides = array<i32>} : memref<2x10496xi32, #tpu.memory_space<vmem>>, vector<16xi32>,
        %parallel_loop3A_170 = tpu.vector_load_idx %arg6[%parallel_loop3A_169] : memref<10000xf32, #tpu.memory_space<vmem>>[vector<16xi32>], vector<16xf32>,
        %parallel_loop3A_171 = arith.constant 1 : i32
        %parallel_loop3A_172 = arith.index_cast %parallel_loop3A_171 : i32 to index
        %parallel_loop3A_173 = arith.index_cast %parallel_loop3A_165 : i32 to index
        %parallel_loop3A_174 = tpu.vector_load %arg8[%parallel_loop3A_172, %parallel_loop3A_173] {strides = array<i32>} : memref<2x10496xi32, #tpu.memory_space<vmem>>, vector<16xi32>,
        %parallel_loop3A_175 = tpu.vector_load_idx %arg7[%parallel_loop3A_174] : memref<10000xf32, #tpu.memory_space<vmem>>[vector<16xi32>], vector<16xf32>,
        %parallel_loop3A_176 = arith.addf %parallel_loop3A_170, %parallel_loop3A_175 : vector<16xf32>
        %parallel_loop3A_177 = arith.constant 0.000000e+00 : f32
        %parallel_loop3A_178 = vector.broadcast %parallel_loop3A_177 : f32 to vector<16xf32>
        %parallel_loop3A_179 = arith.maximumf %parallel_loop3A_176, %parallel_loop3A_178 : vector<16xf32>
        %parallel_loop3A_180 = arith.index_cast %parallel_loop3A_165 : i32 to index
        %parallel_loop3A_181 = tpu.vector_load %arg9[%parallel_loop3A_180] {strides = array<i32>} : memref<10496xf32, #tpu.memory_space<vmem>>, vector<16xf32>,
        tpu.vector_store %arg9[%parallel_loop3A_180], %parallel_loop3A_179 {strides = array<i32>} : memref<10496xf32, #tpu.memory_space<vmem>>, vector<16xf32>,
      } {sc.loop_unroll_factor = 4 : i64, sc.parallel_access}
      %dma_start3A_148 = arith.constant 9984 : i32
      %dma_start3A_149 = tpu.memref_slice %arg9[%dma_start3A_148] : memref<10496xf32, #tpu.memory_space<vmem>> -> memref<512xf32, #tpu.memory_space<vmem>>
      %dma_start3A_150 = arith.constant 319488 : i32
      %dma_start3A_151 = tpu.memref_slice %arg5[%dma_start3A_150] : memref<320000xf32, #tpu.memory_space<hbm>> -> memref<512xf32, #tpu.memory_space<hbm>>
      %dma_start3A_152 = arith.constant 319488 : i32
      %dma_start3A_153 = tpu.memref_slice %arg5[%dma_start3A_152] : memref<320000xf32, #tpu.memory_space<hbm>> -> memref<512xf32, #tpu.memory_space<hbm>>
      %dma_start3A_154 = arith.constant 9984 : i32
      %dma_start3A_155 = tpu.memref_slice %arg9[%dma_start3A_154] : memref<10496xf32, #tpu.memory_space<vmem>> -> memref<512xf32, #tpu.memory_space<vmem>>
      tpu.enqueue_dma source(%dma_start3A_155 : memref<512xf32, #tpu.memory_space<vmem>>) target(%dma_start3A_153 : memref<512xf32, #tpu.memory_space<hbm>>) target_semaphore(%arg16 : memref<!tpu.dma_semaphore, #tpu.memory_space<semaphore_mem>>)
      %dma_wait3A_156 = arith.constant 9984 : i32
      %dma_wait3A_157 = tpu.memref_slice %arg9[%dma_wait3A_156] : memref<10496xf32, #tpu.memory_space<vmem>> -> memref<512xf32, #tpu.memory_space<vmem>>
      %dma_wait3A_158 = arith.constant 319488 : i32
      %dma_wait3A_159 = tpu.memref_slice %arg5[%dma_wait3A_158] : memref<320000xf32, #tpu.memory_space<hbm>> -> memref<512xf32, #tpu.memory_space<hbm>>
      %dma_wait3A_160 = arith.constant 319488 : i32
      %dma_wait3A_161 = tpu.memref_slice %arg5[%dma_wait3A_160] : memref<320000xf32, #tpu.memory_space<hbm>> -> memref<512xf32, #tpu.memory_space<hbm>>
      %dma_wait3A_162 = arith.constant 9984 : i32
      %dma_wait3A_163 = tpu.memref_slice %arg9[%dma_wait3A_162] : memref<10496xf32, #tpu.memory_space<vmem>> -> memref<512xf32, #tpu.memory_space<vmem>>
      tpu.wait_dma2 semaphore(%arg16 : memref<!tpu.dma_semaphore, #tpu.memory_space<semaphore_mem>>) src(%dma_wait3A_163 : memref<512xf32, #tpu.memory_space<vmem>>) dst(%dma_wait3A_161 : memref<512xf32, #tpu.memory_space<hbm>>)
    } else {
    }
    %add3A_109 = arith.constant 0 : i32
    %add3A_110 = arith.addi %multiple_of3A, %add3A_109 : i32
    %dma_wait3A_111 = arith.constant 0 : i32
    %dma_wait3A_112 = tpu.memref_slice %arg9[%dma_wait3A_111] : memref<10496xf32, #tpu.memory_space<vmem>> -> memref<3328xf32, #tpu.memory_space<vmem>>
    %dma_wait3A_113 = tpu.memref_slice %arg5[%add3A_110] : memref<320000xf32, #tpu.memory_space<hbm>> -> memref<3328xf32, #tpu.memory_space<hbm>>
    %dma_wait3A_114 = tpu.memref_slice %arg5[%add3A_110] : memref<320000xf32, #tpu.memory_space<hbm>> -> memref<3328xf32, #tpu.memory_space<hbm>>
    %dma_wait3A_115 = arith.constant 0 : i32
    %dma_wait3A_116 = tpu.memref_slice %arg9[%dma_wait3A_115] : memref<10496xf32, #tpu.memory_space<vmem>> -> memref<3328xf32, #tpu.memory_space<vmem>>
    tpu.wait_dma2 semaphore(%arg16 : memref<!tpu.dma_semaphore, #tpu.memory_space<semaphore_mem>>) src(%dma_wait3A_116 : memref<3328xf32, #tpu.memory_space<vmem>>) dst(%dma_wait3A_114 : memref<3328xf32, #tpu.memory_space<hbm>>)
    %add3A_117 = arith.constant 3328 : i32
    %add3A_118 = arith.addi %multiple_of3A, %add3A_117 : i32
    %dma_wait3A_119 = arith.constant 3328 : i32
    %dma_wait3A_120 = tpu.memref_slice %arg9[%dma_wait3A_119] : memref<10496xf32, #tpu.memory_space<vmem>> -> memref<3328xf32, #tpu.memory_space<vmem>>
    %dma_wait3A_121 = tpu.memref_slice %arg5[%add3A_118] : memref<320000xf32, #tpu.memory_space<hbm>> -> memref<3328xf32, #tpu.memory_space<hbm>>
    %dma_wait3A_122 = tpu.memref_slice %arg5[%add3A_118] : memref<320000xf32, #tpu.memory_space<hbm>> -> memref<3328xf32, #tpu.memory_space<hbm>>
    %dma_wait3A_123 = arith.constant 3328 : i32
    %dma_wait3A_124 = tpu.memref_slice %arg9[%dma_wait3A_123] : memref<10496xf32, #tpu.memory_space<vmem>> -> memref<3328xf32, #tpu.memory_space<vmem>>
    tpu.wait_dma2 semaphore(%arg16 : memref<!tpu.dma_semaphore, #tpu.memory_space<semaphore_mem>>) src(%dma_wait3A_124 : memref<3328xf32, #tpu.memory_space<vmem>>) dst(%dma_wait3A_122 : memref<3328xf32, #tpu.memory_space<hbm>>)
    %add3A_125 = arith.constant 6656 : i32
    %add3A_126 = arith.addi %multiple_of3A, %add3A_125 : i32
    %dma_wait3A_127 = arith.constant 6656 : i32
    %dma_wait3A_128 = tpu.memref_slice %arg9[%dma_wait3A_127] : memref<10496xf32, #tpu.memory_space<vmem>> -> memref<3328xf32, #tpu.memory_space<vmem>>
    %dma_wait3A_129 = tpu.memref_slice %arg5[%add3A_126] : memref<320000xf32, #tpu.memory_space<hbm>> -> memref<3328xf32, #tpu.memory_space<hbm>>
    %dma_wait3A_130 = tpu.memref_slice %arg5[%add3A_126] : memref<320000xf32, #tpu.memory_space<hbm>> -> memref<3328xf32, #tpu.memory_space<hbm>>
    %dma_wait3A_131 = arith.constant 6656 : i32
    %dma_wait3A_132 = tpu.memref_slice %arg9[%dma_wait3A_131] : memref<10496xf32, #tpu.memory_space<vmem>> -> memref<3328xf32, #tpu.memory_space<vmem>>
    tpu.wait_dma2 semaphore(%arg16 : memref<!tpu.dma_semaphore, #tpu.memory_space<semaphore_mem>>) src(%dma_wait3A_132 : memref<3328xf32, #tpu.memory_space<vmem>>) dst(%dma_wait3A_130 : memref<3328xf32, #tpu.memory_space<hbm>>)
    return
  }
}

module attributes {stable_mosaic.version = 14 : i64} {
  func.func @_proj_body(%arg0: memref<2x128xf32, #tpu.memory_space<vmem>>, %arg1: memref<10000x128xf32, #tpu.memory_space<vmem>>, %arg2: memref<10000xf32, #tpu.memory_space<vmem>>, %arg3: memref<10000xf32, #tpu.memory_space<vmem>>) attributes {dimension_semantics = [], scalar_prefetch = 0 : i64, scratch_operands = 0 : i64, tpu.core_type = #tpu.core_type<tc>} {
    %get3A = arith.constant 0 : index
    %get3A_0 = arith.constant 0 : index
    %get3A_1 = vector.load %arg0[%get3A, %get3A_0] : memref<2x128xf32, #tpu.memory_space<vmem>>, vector<2x128xf32>
    %get3A_2 = arith.constant 0 : index
    %get3A_3 = arith.constant 0 : index
    %get3A_4 = vector.load %arg1[%get3A_2, %get3A_3] : memref<10000x128xf32, #tpu.memory_space<vmem>>, vector<10000x128xf32>
    %dot_general3A = arith.constant dense<0.000000e+00> : vector<2x10000xf32>
    %dot_general3A_5 = tpu.matmul %get3A_1, %get3A_4, %dot_general3A {dimension_numbers = #tpu.dot_dimension_numbers<[1], [1], [0], [0], [0, 0, 1, 0], [], []>, transpose_lhs_hint = false} : vector<2x128xf32>, vector<10000x128xf32>, vector<2x10000xf32> -> vector<2x10000xf32>
    %slice3A = vector.extract_strided_slice %dot_general3A_5 {offsets = [0, 0], sizes = [1, 10000], strides = [1, 1]} : vector<2x10000xf32> to vector<1x10000xf32>
    %squeeze3A = vector.shape_cast %slice3A : vector<1x10000xf32> to vector<10000xf32>
    %swap3A = arith.constant 0 : index
    %swap3A_6 = vector.load %arg2[%swap3A] : memref<10000xf32, #tpu.memory_space<vmem>>, vector<10000xf32>
    tpu.vector_store %arg2[%swap3A], %squeeze3A {strides = array<i32>} : memref<10000xf32, #tpu.memory_space<vmem>>, vector<10000xf32>,
    %slice3A_7 = vector.extract_strided_slice %dot_general3A_5 {offsets = [1, 0], sizes = [1, 10000], strides = [1, 1]} : vector<2x10000xf32> to vector<1x10000xf32>
    %squeeze3A_8 = vector.shape_cast %slice3A_7 : vector<1x10000xf32> to vector<10000xf32>
    %swap3A_9 = arith.constant 0 : index
    %swap3A_10 = vector.load %arg3[%swap3A_9] : memref<10000xf32, #tpu.memory_space<vmem>>, vector<10000xf32>
    tpu.vector_store %arg3[%swap3A_9], %squeeze3A_8 {strides = array<i32>} : memref<10000xf32, #tpu.memory_space<vmem>>, vector<10000xf32>,
    return
  }
}

</mosaic_0001>

<sc_bundles>
// kernel: kernel.4.cloned.1.call-start
scs
__scs_entry_jumppad:
0x0: {  	(pc) =	sbr.rel $0x88, $3  }
0x1: {  	(tag) =	ssettag $0x0;
	lr =	simm.s32 $0x1  }
0x2: {  	[smem:$0x3F9E] =	sst lr;
	_ =	strace $0xD0000000  }
0x3: {  	_ = 	snop  }
0x4: {  	_ = 	snop  }
0x5: {  	_ = 	snop  }
0x6: {  	_ = 	snop  }
0x7: {  	_ = 	snop  }
__scs_overlays_trampoline_lowered:
0x8: {  	[smem:$0x3FAD] =	sst s0  }
0x9: {  	[smem:$0x3FAE] =	sst s1  }
0xa: {  	[smem:$0x3FAF] =	sst s2  }
0xb: {  	[smem:$0x3FB0] =	sst s3  }
0xc: {  	[smem:$0x3FB1] =	sst s4  }
0xd: {  	[smem:$0x3FB2] =	sst s5  }
0xe: {  	[smem:$0x3FB3] =	sst s6  }
0xf: {  	[smem:$0x3FB4] =	sst s7  }
0x10: {  	[smem:$0x3FB5] =	sst s8  }
0x11: {  	[smem:$0x3FB6] =	sst s9;
	s0 =	simm.s32 @!p0 $0x0  }
0x12: {  	s1 =	sld [smem:$0x3F9C];
	s0 =	simm.s32 @p0 $0x1  }
0x13: {  	[smem:$0x3FB7] =	sst s0;
	s0 =	simm.s32 @!p1 $0x0  }
0x14: {  	s2 =	sld [smem:$0x3F9B];
	s0 =	simm.s32 @p1 $0x1  }
0x15: {  	[smem:$0x3FB8] =	sst s0;
	s0 =	simm.s32 @!p2 $0x0  }
0x16: {  	s3 =	sld [smem:$0x3FDB];
	s0 =	simm.s32 @p2 $0x1  }
0x17: {  	s4 =	simm.s32 $0x1BF5;
	[smem:$0x3FBA] =	sst s0  }
0x18: {  	s0 =	sld [smem:$0x3F9D];
	_ =	swait.ge [sflag:s4], $0x0  }
0x19: {  	s7 =	sld [smem:$0x3F9E]  }
0x1a: {  	s8 =	sadd.s32 $0xFFFFE003, lr  }
0x1b: {  	s9 =	sadd.s32 $0xFFFFFEF7, lr;
	s5 =	simm.s32 $0xFFFFFFFF;
	p2 =	slt.u32 s8, $0xFFFFF086  }
0x1c: {  	p1 =	slt.u32 s9, $0xF7A;
	s5 =	simm.s32 @!p2 $0x0  }
0x1d: {  	s5 =	simm.s32 @p1 $0x1;
	p0 =	seq.s32 s7, s2  }
0x1e: {  	s7 =	smul.u32 @!p0 $0xF7A, s2;
	p2 =	seq.s32 @!p0 s5, $0x0  }
0x1f: {  	s9 =	smul.u32 $0xF7A, s1;
	s8 =	simm.s32 @!p0 $0x1BF5;
	p2 =	por !p2, p0  }
0x20: {  	[sflag:s8] =	ssyncset.s32 @!p0 $0xFFFFF086;
	s6 =	sadd.s32 @!p0 s3, s7;
	s7 =	simm.s32 @!p0 $0x108  }
0x21: {  	s3 =	sadd.s32 s3, s9;
	s6 =	sadd.s32 @!p0 $0x88, s6;
	s7 =	simm.s32 @p2 $0x1082  }
0x22: {  	[simem:s7], [sflag:s8] =	dma.local @!p0 [hbm:s6], $0xF7A  }
0x23: {  	s9 =	sor.u32 $0xD0000000, s2;
	s6 =	simm.s32 $0x108;
	_ =	swait.ge @!p0 [sflag:s8], $0x0  }
0x24: {  	s3 =	sadd.s32 $0x88, s3;
	s6 =	simm.s32 @!p1 $0x1082;
	[sflag:s4] =	ssyncset.s32 $0xFFFFF086  }
0x25: {  	[simem:s6], [sflag:s4] =	dma.local [hbm:s3], $0xF7A  }
0x26: {  	[smem:$0x3F9E] =	sst s1;
	(tag) =	ssettag s2;
	_ =	strace s9  }
0x27: {  	s1 =	sld [smem:$0x3FAE]  }
0x28: {  	s2 =	sld [smem:$0x3FAF]  }
0x29: {  	s4 =	sld [smem:$0x3FB1]  }
0x2a: {  	p0 =	seq.s32 s5, $0x0;
	s5 =	sld [smem:$0x3FB2]  }
0x2b: {  	s6 =	sld [smem:$0x3FB3]  }
0x2c: {  	s7 =	sld [smem:$0x3FB4]  }
0x2d: {  	s3 =	simm.s32 $0x108;
	s8 =	sld [smem:$0x3FB5]  }
0x2e: {  	s3 =	simm.s32 @!p0 $0x1082;
	s9 =	sld [smem:$0x3FB6]  }
0x2f: {  	lr =	sadd.s32 s0, s3;
	s0 =	sld [smem:$0x3FAD]  }
0x30: {  	s3 =	sld [smem:$0x3FB0]  }
0x31: {  	[smem:$0x3FB9] =	sst s10  }
0x32: {  	s10 =	sld [smem:$0x3FB7];
	_ =	sdelay $0x3  }
0x33: {  	p0 =	seq.s32 s10, $0x1;
	s10 =	sld [smem:$0x3FB9];
	_ =	sdelay $0x3  }
0x34: {  	[smem:$0x3FB9] =	sst s10  }
0x35: {  	s10 =	sld [smem:$0x3FB8];
	_ =	sdelay $0x3  }
0x36: {  	p1 =	seq.s32 s10, $0x1;
	s10 =	sld [smem:$0x3FB9];
	_ =	sdelay $0x3  }
0x37: {  	[smem:$0x3FB9] =	sst s10  }
0x38: {  	s10 =	sld [smem:$0x3FBA]  }
0x39: {  	_ = 	snop;
	(pc) =	sbr.ind lr, $3  }
0x3a: {  	_ = 	snop  }
0x3b: {  	_ = 	snop  }
0x3c: {  	p2 =	seq.s32 s10, $0x1;
	s10 =	sld [smem:$0x3FB9]  }
0x3d: {  	_ =	shalt  }
0x3e: {  	_ =	shalt  }
0x3f: {  	_ =	shalt  }
0x40: {  	_ =	shalt  }
0x41: {  	_ =	shalt  }
0x42: {  	_ =	shalt  }
0x43: {  	_ =	shalt  }
0x44: {  	_ =	shalt  }
0x45: {  	_ =	shalt  }
0x46: {  	_ =	shalt  }
0x47: {  	_ =	shalt  }
0x48: {  	_ =	shalt  }
0x49: {  	_ =	shalt  }
0x4a: {  	_ =	shalt  }
0x4b: {  	_ =	shalt  }
0x4c: {  	_ =	shalt  }
0x4d: {  	_ =	shalt  }
0x4e: {  	_ =	shalt  }
0x4f: {  	_ =	shalt  }
0x50: {  	_ =	shalt  }
0x51: {  	_ =	shalt  }
0x52: {  	_ =	shalt  }
0x53: {  	_ =	shalt  }
0x54: {  	_ =	shalt  }
0x55: {  	_ =	shalt  }
0x56: {  	_ =	shalt  }
0x57: {  	_ =	shalt  }
0x58: {  	_ =	shalt  }
0x59: {  	_ =	shalt  }
0x5a: {  	_ =	shalt  }
0x5b: {  	_ =	shalt  }
0x5c: {  	_ =	shalt  }
0x5d: {  	_ =	shalt  }
0x5e: {  	_ =	shalt  }
0x5f: {  	_ =	shalt  }
0x60: {  	_ =	shalt  }
0x61: {  	_ =	shalt  }
0x62: {  	_ =	shalt  }
0x63: {  	_ =	shalt  }
0x64: {  	_ =	shalt  }
0x65: {  	_ =	shalt  }
0x66: {  	_ =	shalt  }
0x67: {  	_ =	shalt  }
0x68: {  	_ =	shalt  }
0x69: {  	_ =	shalt  }
0x6a: {  	_ =	shalt  }
0x6b: {  	_ =	shalt  }
0x6c: {  	_ =	shalt  }
0x6d: {  	_ =	shalt  }
0x6e: {  	_ =	shalt  }
0x6f: {  	_ =	shalt  }
0x70: {  	_ =	shalt  }
0x71: {  	_ =	shalt  }
0x72: {  	_ =	shalt  }
0x73: {  	_ =	shalt  }
0x74: {  	_ =	shalt  }
0x75: {  	_ =	shalt  }
0x76: {  	_ =	shalt  }
0x77: {  	_ =	shalt  }
0x78: {  	_ =	shalt  }
0x79: {  	_ =	shalt  }
0x7a: {  	_ =	shalt  }
0x7b: {  	_ =	shalt  }
0x7c: {  	_ =	shalt  }
0x7d: {  	_ =	shalt  }
0x7e: {  	_ =	shalt  }
0x7f: {  	_ =	shalt  }
0x80: {  	_ =	shalt  }
0x81: {  	_ =	shalt  }
0x82: {  	_ =	shalt  }
0x83: {  	_ =	shalt  }
0x84: {  	_ =	shalt  }
0x85: {  	_ =	shalt  }
0x86: {  	_ =	shalt  }
0x87: {  	_ =	shalt  }
.Lfunc_end0:
.L_simem_size_0:
called_computation_lowered:
.L_overlay_start_0:
0x88: {  	s2 =	sld [smem:$0x3FD9]  }
0x89: {  	s3 =	sld [smem:$0x3FFE];
	_ =	sdelay $0x1  }
0x8a: {  	s1 =	srdreg.scid  }
0x8b: {  	s0 =	sand.u32 $0x1, s1  }
0x8c: {  	s17 =	sshll.u32 s0, $0xA;
	s2 =	sadd.s32 s3, s2  }
0x8d: {  	s2 =	sadd.s32 s2, s17  }
0x8e: {  	[smem:$0x3FC5] =	sst s2  }
0x8f: {  	_ = 	snop  }
0x90: {  	s2 =	sld [smem:$0x3FC8]  }
0x91: {  	s18 =	sld [smem:$0x3FD0];
	(tm) =	ssettm $0x1  }
0x92: {  	s4 =	sld [smem:$0x3FFB];
	_ =	sdelay $0x3  }
0x93: {  	_ =	strace s4  }
0x94: {  	s4 =	sld [smem:$0x3FFC];
	_ =	sdelay $0x3  }
0x95: {  	_ =	strace s4  }
0x96: {  	s4 =	sld [smem:$0x3FFD];
	_ =	sdelay $0x3  }
0x97: {  	_ =	strace s4  }
0x98: {  	_ =	strace $0x8FFFFFFF  }
0x99: {  	s19 =	sld [smem:$0x3FDB];
	_ =	sdelay $0x1  }
0x9a: {  	s5 =	simm.s32 $_scs_section_size  }
0x9b: {  	s6 =	simm.s32 $_size__tile_overlayer_lowered;
	s7 =	simm.s32 $_tile_overlayer_lowered  }
0x9c: {  	s22 =	simm.s32 $0x1BFF;
	s21 =	sshll.u32 s7, $0x1;
	s4 =	sadd.s32 s5, s19  }
0x9d: {  	s8 =	simm.s32 $0x0;
	s20 =	sshll.u32 s6, $0x1;
	s6 =	sadd.s32 s21, s4  }
0x9e: {  	[timem:s8], [sflag:s22] =	dma.local [hbm:s6], s20  }
0x9f: {  	_ =	swait.ge [sflag:s22], s20  }
0xa0: {  	s5 =	ssub.s32 $0x0, s20;
	[sflag:s22] =	ssyncset.done $0x0  }
0xa1: {  	[sflag:s22] =	ssyncadd.s32 s5;
	_ =	sdelay $0x1  }
0xa2: {  	s23 =	simm.s32 $0x1B8B  }
0xa3: {  	_ =	swait.ge [sflag:s23], $0x1  }
0xa4: {  	[sflag:s23] =	ssyncset.done $0x0  }
0xa5: {  	s25 =	simm.s32 $0x1B8E;
	s24 =	sld [smem:$0x3FFE];
	[sflag:s23] =	ssyncadd.s32 $0xFFFFFFFF  }
0xa6: {  	s26 =	simm.s32 $execute0_lowered;
	[smem:$0x3FD2] =	sst s25  }
0xa7: {  	s6 =	sshll.u32 s26, $0x1;
	_ =	strace $0x80000046;
	[dreg:$0x1] =	wrdreg $0xFFFFFFFF  }
0xa8: {  	s28 =	simm.s32 $_size_execute0_lowered;
	s4 =	sadd.s32 s4, s6;
	[dreg:$0x0] =	wrdreg $0x0  }
0xa9: {  	s6 =	sshll.u32 s28, $0x1;
	[dreg:$0x2] =	wrdreg s4  }
0xaa: {  	[dreg:$0x3] =	wrdreg s6  }
0xab: {  	[dreg:$0x4] =	wrdreg $0xC0  }
0xac: {  	_ =	task [dreg:s8], $0x5FFFF  }
0xad: {  	[dreg:$0x1] =	wrdreg $0xFFFFFFFF  }
0xae: {  	[dreg:$0x0] =	wrdreg $0x60  }
0xaf: {  	[dreg:$0x2] =	wrdreg s18  }
0xb0: {  	[dreg:$0x3] =	wrdreg s24  }
0xb1: {  	[dreg:$0x4] =	wrdreg s2  }
0xb2: {  	[dreg:$0x5] =	wrdreg $0xCA000  }
0xb3: {  	[dreg:$0x6] =	wrdreg $0xCC780  }
0xb4: {  	[dreg:$0x7] =	wrdreg $0x9  }
0xb5: {  	_ =	task.clear_ibuf [dreg:s8], $0x8FFFF;
	_ =	strace $0x90000046  }
0xb6: {  	s29 =	simm.s32 $0x9;
	_ =	strace $0x80000048  }
0xb7: {  	_ =	swait.ge [sflag:s29], $0x1  }
0xb8: {  	[sflag:s29] =	ssyncadd.s32 $0xFFFFFFFF  }
0xb9: {  	_ =	strace $0x90000048  }
0xba: {  	_ =	sfence  }
0xbb: {  	s30 =	sld [smem:$0x0];
	_ =	sdelay $0x2  }
0xbc: {  	s31 =	sshll.u32 s1, $0xD;
	s1 =	sshrl.u32 s1, $0x2  }
0xbd: {  	s3 =	sand.u32 $0x4000, s31;
	s1 =	sadd.s32 s1, s30  }
0xbe: {  	s0 =	sor.u32 s3, s0;
	s1 =	sshll.u32 s1, $0x11  }
0xbf: {  	s0 =	sor.u32 s1, s0  }
0xc0: {  	s0 =	sadd.s32 $0x8F2B, s0  }
0xc1: {  	[sflag:s0] =	ssyncadd.remote.s32 $0x1  }
0xc2: {  	_ =	sfence.sel $0xFFFF  }
0xc3: {  	[dreg:$0x0] =	wrdreg $0xFFFFFFFF;
	(pc) =	sbr.abs _section_cstart, $3  }
0xc4: {  	[dreg:$0x1] =	wrdreg $0xFFFFFFFF  }
0xc5: {  	_ =	task.clear_ibuf [dreg:s8], $0x2FFFF;
	_ =	strace $0x9FFFFFFF  }
0xc6: {  	(tm) =	ssettm $0x7FFFFFFF  }
0xc7: {  	_ =	shalt  }
tec
execute0_lowered:
.L_overlay_start_1:
0x0: {  	(tag) =	ssettag $0x1  }
0x1: {  	s0 =	rddreg [dreg:$0x1]  }
0x2: {  	s1 =	rddreg [dreg:$0x2]  }
0x3: {  	s16 =	rddreg [dreg:$0x3]  }
0x4: {  	s17 =	rddreg [dreg:$0x4];
	s4 =	simm.s32 $0x0  }
0x5: {  	s2 =	srdreg.scid;
	s3 =	stileid.u32;
	s20 =	simm.s32 $0x2780  }
0x6: {  	s21 =	simm.s32 $0x1;
	s22 =	simm.s32 $0x2;
	s23 =	simm.s32 $0xA100  }
0x7: {  	s31 =	simm.s32 $0x5;
	[smem:$0x7FF] =	sst s4;
	s2 =	sand.u32 $0x1, s2  }
0x8: {  	s5 =	sshll.u32 s3, $0x1;
	s24 =	sadd.s32 $0xE00, s0;
	s12 =	sadd.s32 $0x1400, s0  }
0x9: {  	s9 =	sadd.s32 $0x13800, s1;
	s0 =	sadd.s32 $0xB000, s0;
	p0 =	sne.s32 s3, $0x0  }
0xa: {  	_ =	strace $0x80000047;
	s15 =	sor.u32 s2, s5;
	[dreg:$0x6] =	wrdreg s24  }
0xb: {  	s2 =	ssub.s32 $0x2, s2;
	[dreg:$0xa] =	wrdreg s0;
	s18 =	sshrl.u32 @!p0 s16, $0x3  }
0xc: {  	s19 =	sshrl.u32 @!p0 s17, $0x3;
	s24 =	simm.s32 $0x3;
	s10 =	smul.u32 $0x2700, s15  }
0xd: {  	s0 =	simm.s32 $0x0;
	s6 =	sshrl.u32 s2, $0x1;
	s7 =	smul.u32 $0x9C0, s15  }
0xe: {  	p1 =	sne.s32 s15, $0x1F;
	s2 =	ssub.s32 s2, s6;
	s11 =	sadd.s32 $0xD00, s10  }
0xf: {  	s13 =	sadd.s32 $0x1A00, s10;
	s25 =	sadd.s32 s1, s7;
	s30 =	sshrl.u32 s10, $0x3  }
.Ltmp0:
0x10: {  	s14 =	smax.u32 s2, $0x1;
	[dreg:$0x7] =	wrdreg s25;
	(pc) =	sbr.rel .LBB2_1-.Ltmp0, $4  }
0x11: {  	s26 =	sshrl.u32 s11, $0x2;
	s8 =	sshrl.u32 s13, $0x2;
	s11 =	sshrl.u32 s11, $0x3  }
0x12: {  	s13 =	sshrl.u32 s13, $0x3;
	s10 =	sadd.s32 s12, s30;
	s28 =	sadd.s32 s1, s26  }
0x13: {  	s29 =	sadd.s32 s1, s8;
	s11 =	sadd.s32 s12, s11;
	[dreg:$0x8] =	wrdreg s28  }
0x14: {  	s12 =	sadd.s32 s12, s13;
	s26 =	simm.s32 $0x4;
	[dreg:$0x9] =	wrdreg s29  }
.LBB2_10:
0x15: {  	_ =	sdelay $0x3  }
0x16: {  	v0 =	vld.idx.msk [tilespmem:v0+s4+$0x0], $0xffff  }
0x17: {  	v1 =	vld.idx.msk [tilespmem:v1+s20+$0x0], $0xffff  }
0x18: {  	v2 =	vld.idx.msk [tilespmem:v2+s4+$0x0], $0xffff  }
0x19: {  	v3 =	vld.idx.msk [tilespmem:v3+s20+$0x0], $0xffff;
	_ =	sdelay $0x1  }
0x1a: {  	s1 =	sand.u32 $0x3F80, s17;
	v4 =	vadd.f32 v7, v4  }
0x1b: {  	v5 =	vadd.f32 v6, v5;
	s1 =	sadd.s32 $0xA100, s1  }
0x1c: {  	v4 =	vmax.f32 v4, $0.0e+00;
	s3 =	sor.u32 s3, s1;
	v0 =	vadd.f32 v1, v0  }
0x1d: {  	s2 =	sor.u32 s2, s1;
	v62 =	vmax.f32 v5, $0.0e+00;
	[tilespmem:s3+$0x0] =	vst v4;
	v2 =	vadd.f32 v3, v2  }
0x1e: {  	s1 =	sor.u32 s15, s1;
	[tilespmem:s2+$0x0] =	vst v62;
	v0 =	vmax.f32 v0, $0.0e+00  }
0x1f: {  	s29 =	sadd.s32 $0x40, s16;
	v63 =	vmax.f32 v2, $0.0e+00;
	[tilespmem:s1+$0x0] =	vst v0  }
0x20: {  	[tilespmem:s29+$0x0] =	vst v63  }
0x21: {  	s30 =	simm.s32 $0xC800;
	s1 =	rddreg [dreg:$0xa]  }
0x22: {  	[hbm4b:s1+s4] =	stream.linear.scatter [tilespmem:s30], [sflag:$0x5], $0x200, $0x38;
	[tilespmem:$0xCEF0] =	vst v63  }
0x23: {  	_ =	swait.ge [sflag:s31], $0x200  }
0x24: {  	[sflag:s31] =	ssyncset.done $0x0  }
0x25: {  	[sflag:s31] =	ssyncadd.s32 $0xFFFFFE00  }
.LBB2_11:
0x26: {  	_ =	swait.ge [sflag:s31], $0xD00  }
0x27: {  	[sflag:s31] =	ssyncset.done $0x0  }
0x28: {  	s0 =	sadd.s32 $0x1, s0;
	[sflag:s31] =	ssyncadd.s32 $0xFFFFF300  }
0x29: {  	p2 =	sne.s32 s0, s14;
	_ =	swait.ge [sflag:s31], $0xD00  }
.Ltmp1:
0x2a: {  	[sflag:s31] =	ssyncset.done $0x0;
	(pc) =	sbr.rel @!p2 .LBB2_12-.Ltmp1, $4  }
0x2b: {  	[sflag:s31] =	ssyncadd.s32 $0xFFFFF300  }
0x2c: {  	_ =	swait.ge [sflag:s31], $0xD00  }
0x2d: {  	[sflag:s31] =	ssyncset.done $0x0  }
0x2e: {  	[sflag:s31] =	ssyncadd.s32 $0xFFFFF300  }
.LBB2_1:
0x2f: {  	s1 =	rddreg [dreg:$0x7];
	s2 =	simm.s32 $0x4F00  }
0x30: {  	[tilespmem:s2], [sflag:$0x2] =	stream.linear.gather [hbm4b:s1+s4], $0x1A00, $0x38;
	[tilespmem:$0xCEF0] =	vst v63  }
0x31: {  	s13 =	rddreg [dreg:$0x8];
	s15 =	simm.s32 $0x6900  }
0x32: {  	[tilespmem:s15], [sflag:$0x3] =	stream.linear.gather [hbm4b:s13+s4], $0x1A00, $0x38;
	[tilespmem:$0xCEF0] =	vst v63  }
0x33: {  	s16 =	rddreg [dreg:$0x9];
	s17 =	simm.s32 $0x8300  }
0x34: {  	[tilespmem:s17], [sflag:$0x4] =	stream.linear.gather [hbm4b:s16+s4], $0x1A00, $0x38;
	[tilespmem:$0xCEF0] =	vst v63  }
0x35: {  	s1 =	simm.s32 @!p1 $0x0;
	s2 =	simm.s32 @!p1 $0x9D00  }
0x36: {  	[tilespmem:s2], [sflag:$0x6] =	stream.linear.gather @!p1 [hbm4b:s9+s1], $0x400, $0x38;
	[tilespmem:$0xCEF0] =	vst v63  }
0x37: {  	s1 =	simm.s32 @!p0 $0x1C01;
	s2 =	rddreg [dreg:$0x0]  }
0x38: {  	[spmem:s18], [sflag:s1] =	dma.local @!p0 [hbm:s2], $0x4F0  }
0x39: {  	s2 =	rddreg [dreg:$0x6]  }
0x3a: {  	[spmem:s19], [sflag:s1] =	dma.local @!p0 [hbm:s2], $0x4F0  }
0x3b: {  	s1 =	simm.s32 @!p0 $0x1  }
0x3c: {  	_ =	swait.ge @!p0 [sflag:s1], $0x4F0  }
0x3d: {  	[sflag:s1] =	ssyncset.done @!p0 $0x0  }
0x3e: {  	[sflag:s1] =	ssyncadd.s32 @!p0 $0xFFFFFB10  }
0x3f: {  	_ =	swait.ge @!p0 [sflag:s1], $0x4F0  }
0x40: {  	[sflag:s1] =	ssyncset.done @!p0 $0x0  }
0x41: {  	[sflag:s1] =	ssyncadd.s32 @!p0 $0xFFFFFB10  }
0x42: {  	[bflag:$0x0] =	sbarrier.arrive $0xFFFF  }
0x43: {  	s25 =	rddreg [dreg:$0x3]  }
0x44: {  	[tilespmem:s4], [sflag:$0x1] =	stream.linear.gather [spmem:s25], $0x2780, $0x38;
	[tilespmem:$0xCEF0] =	vst v63  }
0x45: {  	s28 =	rddreg [dreg:$0x4]  }
0x46: {  	[tilespmem:s20], [sflag:$0x1] =	stream.linear.gather [spmem:s28], $0x2780, $0x38;
	[tilespmem:$0xCEF0] =	vst v63  }
0x47: {  	_ =	swait.ge [sflag:s21], $0x2780  }
0x48: {  	[sflag:s21] =	ssyncset.done $0x0  }
0x49: {  	[sflag:s21] =	ssyncadd.s32 $0xFFFFD880  }
0x4a: {  	_ =	swait.ge [sflag:s21], $0x2780  }
0x4b: {  	[sflag:s21] =	ssyncset.done $0x0  }
0x4c: {  	s16 =	simm.s32 $0x0;
	[sflag:s21] =	ssyncadd.s32 $0xFFFFD880  }
0x4d: {  	s3 =	sand.u32 $0x1F00, s4;
	s29 =	sand.u32 $0x40, s16;
	_ =	swait.ge [sflag:s22], $0x1A00  }
0x4e: {  	s17 =	sor.u32 $0x30, s29;
	s2 =	sadd.s32 $0x4F00, s3;
	[sflag:s22] =	ssyncset.done $0x0  }
0x4f: {  	s3 =	sor.u32 s17, s2;
	[sflag:s22] =	ssyncadd.s32 $0xFFFFE600  }
0x50: {  	s25 =	sor.u32 $0x10, s29;
	v0 =	vld [tilespmem:s3+$0x0]  }
0x51: {  	s15 =	sor.u32 s25, s2;
	v1 =	vld [tilespmem:s3+$0x80]  }
0x52: {  	s1 =	sor.u32 s29, s2;
	v2 =	vld [tilespmem:s15+$0x0]  }
0x53: {  	v6 =	vld [tilespmem:s1+$0x0]  }
0x54: {  	s30 =	simm.s32 $0x40;
	s28 =	sor.u32 $0x20, s29;
	v7 =	vld [tilespmem:s1+$0x80];
	s1 =	simm.s32 $0x80  }
0x55: {  	s13 =	sand.u32 $0x40, s30;
	s5 =	sor.u32 s28, s2;
	v3 =	vld [tilespmem:s15+$0x80];
	s6 =	sand.u32 $0x1F00, s1  }
0x56: {  	v4 =	vld [tilespmem:s5+$0x0];
	s3 =	sor.u32 $0x30, s13;
	s29 =	sadd.s32 $0x4F00, s6  }
0x57: {  	v5 =	vld [tilespmem:s5+$0x80];
	s7 =	sor.u32 s3, s29  }
0x58: {  	s2 =	sor.u32 $0x10, s13;
	v10 =	vld [tilespmem:s7+$0x0]  }
0x59: {  	s5 =	sor.u32 s2, s29;
	v11 =	vld [tilespmem:s7+$0x80]  }
0x5a: {  	v12 =	vld [tilespmem:s5+$0x0]  }
0x5b: {  	v13 =	vld [tilespmem:s5+$0x80]  }
0x5c: {  	v8 =	vld.idx.msk [tilespmem:v0+s4+$0x0], $0xffff  }
0x5d: {  	v9 =	vld.idx.msk [tilespmem:v1+s20+$0x0], $0xffff  }
0x5e: {  	v2 =	vld.idx.msk [tilespmem:v2+s4+$0x0], $0xffff  }
0x5f: {  	v3 =	vld.idx.msk [tilespmem:v3+s20+$0x0], $0xffff  }
0x60: {  	v4 =	vld.idx.msk [tilespmem:v4+s4+$0x0], $0xffff  }
0x61: {  	v5 =	vld.idx.msk [tilespmem:v5+s20+$0x0], $0xffff  }
0x62: {  	s15 =	sor.u32 $0x20, s13;
	v6 =	vld.idx.msk [tilespmem:v6+s4+$0x0], $0xffff  }
0x63: {  	s8 =	sor.u32 s15, s29;
	v7 =	vld.idx.msk [tilespmem:v7+s20+$0x0], $0xffff  }
0x64: {  	v1 =	vld [tilespmem:s8+$0x0]  }
0x65: {  	s16 =	sand.u32 $0xF80, s16;
	s13 =	sor.u32 s13, s29;
	v0 =	vld [tilespmem:s8+$0x80];
	v8 =	vadd.f32 v9, v8  }
0x66: {  	s5 =	sadd.s32 $0xA100, s16;
	v63 =	vadd.f32 v3, v2;
	v3 =	vld [tilespmem:s13+$0x0]  }
0x67: {  	s17 =	sor.u32 s17, s5;
	v2 =	vld [tilespmem:s13+$0x80];
	v5 =	vadd.f32 v5, v4;
	v4 =	vmax.f32 v8, $0.0e+00  }
0x68: {  	s29 =	sor.u32 s25, s5;
	v6 =	vadd.f32 v7, v6;
	v7 =	vmax.f32 v63, $0.0e+00;
	[tilespmem:s17+$0x0] =	vst v4;
	v4 =	vld.idx.msk [tilespmem:v10+s4+$0x0], $0xffff  }
0x69: {  	s5 =	sor.u32 s28, s5;
	v5 =	vmax.f32 v5, $0.0e+00;
	[tilespmem:s29+$0x0] =	vst v7;
	v7 =	vld.idx.msk [tilespmem:v11+s20+$0x0], $0xffff  }
0x6a: {  	v6 =	vmax.f32 v6, $0.0e+00;
	[tilespmem:s5+$0x0] =	vst v5;
	v5 =	vld.idx.msk [tilespmem:v12+s4+$0x0], $0xffff  }
0x6b: {  	s16 =	simm.s32 $0xA100;
	[tilespmem:s23+$0x0] =	vst v6;
	v6 =	vld.idx.msk [tilespmem:v13+s20+$0x0], $0xffff;
	s17 =	simm.s32 $0x40  }
.LBB2_2:
0x6c: {  	s30 =	sadd.s32 $0x40, s30;
	v1 =	vld.idx.msk [tilespmem:v1+s4+$0x0], $0xffff;
	s1 =	sadd.s32 $0x80, s1  }
0x6d: {  	s5 =	sand.u32 $0x40, s30;
	s13 =	sand.u32 $0x1F00, s1;
	p2 =	slt.u32 s30, $0xCC0;
	v0 =	vld.idx.msk [tilespmem:v0+s20+$0x0], $0xffff  }
0x6e: {  	s13 =	sadd.s32 $0x4F00, s13;
	s25 =	sor.u32 $0x10, s5;
	s28 =	sor.u32 $0x30, s5;
	v3 =	vld.idx.msk [tilespmem:v3+s4+$0x0], $0xffff  }
0x6f: {  	s17 =	sand.u32 $0xF80, s17;
	s29 =	sor.u32 $0x20, s5;
	v4 =	vadd.f32 v7, v4;
	s6 =	sor.u32 s28, s13;
	v2 =	vld.idx.msk [tilespmem:v2+s20+$0x0], $0xffff  }
0x70: {  	s17 =	sadd.s32 $0xA100, s17;
	s7 =	sor.u32 s25, s13;
	s8 =	sor.u32 s29, s13;
	v7 =	vld [tilespmem:s6+$0x0]  }
0x71: {  	s5 =	sor.u32 s5, s13;
	v5 =	vadd.f32 v6, v5;
	v4 =	vmax.f32 v4, $0.0e+00;
	v8 =	vld [tilespmem:s6+$0x80];
	s6 =	sor.u32 s2, s17;
	s2 =	sor.u32 s3, s17  }
0x72: {  	s13 =	sor.u32 s15, s17;
	s17 =	smov.u32 s30;
	v6 =	vld [tilespmem:s7+$0x0];
	[tilespmem:s2+$0x0] =	vst v4;
	s2 =	smov.u32 s25  }
0x73: {  	s15 =	smov.u32 s29;
	s3 =	smov.u32 s28;
	v4 =	vmax.f32 v5, $0.0e+00;
	v5 =	vadd.f32 v0, v1;
	v9 =	vld [tilespmem:s7+$0x80]  }
0x74: {  	v1 =	vld [tilespmem:s8+$0x0];
	[tilespmem:s6+$0x0] =	vst v4  }
0x75: {  	v4 =	vadd.f32 v2, v3;
	v2 =	vmax.f32 v5, $0.0e+00;
	v0 =	vld [tilespmem:s8+$0x80]  }
0x76: {  	v3 =	vld [tilespmem:s5+$0x0];
	[tilespmem:s13+$0x0] =	vst v2  }
.Ltmp2:
0x77: {  	s16 =	sadd.s32 $0x40, s16;
	v5 =	vmax.f32 v4, $0.0e+00;
	v2 =	vld [tilespmem:s5+$0x80];
	(pc) =	sbr.rel @p2 .LBB2_2-.Ltmp2, $4  }
0x78: {  	v4 =	vld.idx.msk [tilespmem:v7+s4+$0x0], $0xffff;
	[tilespmem:s16+$0x0] =	vst v5  }
0x79: {  	v7 =	vld.idx.msk [tilespmem:v8+s20+$0x0], $0xffff  }
0x7a: {  	v5 =	vld.idx.msk [tilespmem:v6+s4+$0x0], $0xffff  }
0x7b: {  	v6 =	vld.idx.msk [tilespmem:v9+s20+$0x0], $0xffff  }
0x7c: {  	_ =	sdelay $0x3  }
0x7d: {  	v1 =	vld.idx.msk [tilespmem:v1+s4+$0x0], $0xffff  }
0x7e: {  	v0 =	vld.idx.msk [tilespmem:v0+s20+$0x0], $0xffff  }
0x7f: {  	v3 =	vld.idx.msk [tilespmem:v3+s4+$0x0], $0xffff  }
0x80: {  	v2 =	vld.idx.msk [tilespmem:v2+s20+$0x0], $0xffff;
	_ =	sdelay $0x1  }
0x81: {  	s1 =	sand.u32 $0xF80, s17;
	v4 =	vadd.f32 v7, v4  }
0x82: {  	s1 =	sadd.s32 $0xA100, s1;
	v5 =	vadd.f32 v6, v5  }
0x83: {  	s3 =	sor.u32 s3, s1;
	v4 =	vmax.f32 v4, $0.0e+00;
	v0 =	vadd.f32 v0, v1  }
0x84: {  	s2 =	sor.u32 s2, s1;
	[tilespmem:s3+$0x0] =	vst v4;
	v2 =	vadd.f32 v2, v3;
	v1 =	vmax.f32 v5, $0.0e+00  }
0x85: {  	s1 =	sor.u32 s15, s1;
	[tilespmem:s2+$0x0] =	vst v1;
	v0 =	vmax.f32 v0, $0.0e+00  }
0x86: {  	s25 =	sadd.s32 $0x40, s16;
	[tilespmem:s1+$0x0] =	vst v0;
	v0 =	vmax.f32 v2, $0.0e+00  }
0x87: {  	s28 =	simm.s32 $0x1A00;
	s5 =	simm.s32 $0xD00;
	[tilespmem:s25+$0x0] =	vst v0  }
0x88: {  	[hbm4b:s10+s4] =	stream.linear.scatter [tilespmem:s23], [sflag:$0x5], $0xD00, $0x38;
	[tilespmem:$0xCEF0] =	vst v63  }
0x89: {  	s29 =	sand.u32 $0x40, s5;
	s1 =	sand.u32 $0x3F00, s28;
	_ =	swait.ge [sflag:s24], $0x1A00  }
0x8a: {  	s6 =	sor.u32 $0x30, s29;
	s1 =	sadd.s32 $0x4F00, s1;
	[sflag:s24] =	ssyncset.done $0x0  }
0x8b: {  	s13 =	sor.u32 s6, s1;
	[sflag:s24] =	ssyncadd.s32 $0xFFFFE600  }
0x8c: {  	s7 =	sor.u32 $0x10, s29;
	v0 =	vld [tilespmem:s13+$0x0]  }
0x8d: {  	s8 =	sor.u32 s7, s1;
	v1 =	vld [tilespmem:s13+$0x80];
	s13 =	sor.u32 $0x20, s29  }
0x8e: {  	v2 =	vld [tilespmem:s8+$0x0];
	s15 =	sor.u32 s13, s1;
	s1 =	sor.u32 s29, s1  }
0x8f: {  	v6 =	vld [tilespmem:s1+$0x0]  }
0x90: {  	s30 =	simm.s32 $0xD40;
	v7 =	vld [tilespmem:s1+$0x80];
	s1 =	simm.s32 $0x1A80  }
0x91: {  	s16 =	sand.u32 $0x40, s30;
	v3 =	vld [tilespmem:s8+$0x80];
	s28 =	sand.u32 $0x3F00, s1  }
0x92: {  	s3 =	sor.u32 $0x30, s16;
	v4 =	vld [tilespmem:s15+$0x0];
	s29 =	sadd.s32 $0x4F00, s28  }
0x93: {  	v5 =	vld [tilespmem:s15+$0x80];
	s25 =	sor.u32 s3, s29  }
0x94: {  	s2 =	sor.u32 $0x10, s16;
	v9 =	vld [tilespmem:s25+$0x0]  }
0x95: {  	s28 =	sor.u32 s2, s29;
	v10 =	vld [tilespmem:s25+$0x80]  }
0x96: {  	v11 =	vld [tilespmem:s28+$0x0]  }
0x97: {  	v12 =	vld [tilespmem:s28+$0x80]  }
0x98: {  	v8 =	vld.idx.msk [tilespmem:v0+s4+$0x0], $0xffff  }
0x99: {  	v1 =	vld.idx.msk [tilespmem:v1+s20+$0x0], $0xffff  }
0x9a: {  	v2 =	vld.idx.msk [tilespmem:v2+s4+$0x0], $0xffff  }
0x9b: {  	v3 =	vld.idx.msk [tilespmem:v3+s20+$0x0], $0xffff  }
0x9c: {  	v4 =	vld.idx.msk [tilespmem:v4+s4+$0x0], $0xffff  }
0x9d: {  	v5 =	vld.idx.msk [tilespmem:v5+s20+$0x0], $0xffff  }
0x9e: {  	s15 =	sor.u32 $0x20, s16;
	v6 =	vld.idx.msk [tilespmem:v6+s4+$0x0], $0xffff  }
0x9f: {  	s25 =	sor.u32 s15, s29;
	v7 =	vld.idx.msk [tilespmem:v7+s20+$0x0], $0xffff  }
0xa0: {  	v0 =	vld [tilespmem:s25+$0x0]  }
0xa1: {  	s5 =	sand.u32 $0x1F80, s5;
	s8 =	sor.u32 s16, s29;
	v8 =	vadd.f32 v1, v8;
	v1 =	vld [tilespmem:s25+$0x80]  }
0xa2: {  	s5 =	sadd.s32 $0xA100, s5;
	v13 =	vadd.f32 v3, v2;
	v2 =	vld [tilespmem:s8+$0x0]  }
0xa3: {  	s6 =	sor.u32 s6, s5;
	v3 =	vld [tilespmem:s8+$0x80];
	v8 =	vmax.f32 v8, $0.0e+00;
	v5 =	vadd.f32 v5, v4  }
0xa4: {  	s29 =	sor.u32 s7, s5;
	v6 =	vadd.f32 v7, v6;
	v7 =	vmax.f32 v13, $0.0e+00;
	v4 =	vld.idx.msk [tilespmem:v9+s4+$0x0], $0xffff;
	[tilespmem:s6+$0x0] =	vst v8  }
0xa5: {  	s5 =	sor.u32 s13, s5;
	[tilespmem:s29+$0x0] =	vst v7;
	v7 =	vld.idx.msk [tilespmem:v10+s20+$0x0], $0xffff;
	v5 =	vmax.f32 v5, $0.0e+00  }
0xa6: {  	s16 =	simm.s32 $0xAE00;
	v6 =	vmax.f32 v6, $0.0e+00;
	[tilespmem:s5+$0x0] =	vst v5;
	v5 =	vld.idx.msk [tilespmem:v11+s4+$0x0], $0xffff  }
0xa7: {  	s17 =	simm.s32 $0xD40;
	[tilespmem:s16+$0x0] =	vst v6;
	v6 =	vld.idx.msk [tilespmem:v12+s20+$0x0], $0xffff  }
.LBB2_4:
0xa8: {  	s30 =	sadd.s32 $0x40, s30;
	v0 =	vld.idx.msk [tilespmem:v0+s4+$0x0], $0xffff;
	s1 =	sadd.s32 $0x80, s1  }
0xa9: {  	s5 =	sand.u32 $0x40, s30;
	s6 =	sand.u32 $0x3F00, s1;
	p2 =	slt.u32 s30, $0x19C0;
	v1 =	vld.idx.msk [tilespmem:v1+s20+$0x0], $0xffff  }
0xaa: {  	s6 =	sadd.s32 $0x4F00, s6;
	s7 =	sor.u32 $0x10, s5;
	s8 =	sor.u32 $0x30, s5;
	v2 =	vld.idx.msk [tilespmem:v2+s4+$0x0], $0xffff  }
0xab: {  	s17 =	sand.u32 $0x1F80, s17;
	s13 =	sor.u32 $0x20, s5;
	v4 =	vadd.f32 v7, v4;
	s25 =	sor.u32 s8, s6;
	v3 =	vld.idx.msk [tilespmem:v3+s20+$0x0], $0xffff  }
0xac: {  	s17 =	sadd.s32 $0xA100, s17;
	s28 =	sor.u32 s7, s6;
	s29 =	sor.u32 s13, s6;
	v7 =	vld [tilespmem:s25+$0x0]  }
0xad: {  	s5 =	sor.u32 s5, s6;
	s6 =	sor.u32 s2, s17;
	s2 =	sor.u32 s3, s17;
	v5 =	vadd.f32 v6, v5;
	v4 =	vmax.f32 v4, $0.0e+00;
	v8 =	vld [tilespmem:s25+$0x80]  }
0xae: {  	s25 =	sor.u32 s15, s17;
	s17 =	smov.u32 s30;
	v6 =	vld [tilespmem:s28+$0x0];
	[tilespmem:s2+$0x0] =	vst v4;
	s2 =	smov.u32 s7  }
0xaf: {  	s3 =	smov.u32 s8;
	s15 =	smov.u32 s13;
	v4 =	vmax.f32 v5, $0.0e+00;
	v5 =	vadd.f32 v1, v0;
	v9 =	vld [tilespmem:s28+$0x80]  }
0xb0: {  	v0 =	vld [tilespmem:s29+$0x0];
	[tilespmem:s6+$0x0] =	vst v4  }
0xb1: {  	v4 =	vadd.f32 v3, v2;
	v3 =	vmax.f32 v5, $0.0e+00;
	v1 =	vld [tilespmem:s29+$0x80]  }
0xb2: {  	v2 =	vld [tilespmem:s5+$0x0];
	[tilespmem:s25+$0x0] =	vst v3  }
.Ltmp3:
0xb3: {  	s16 =	sadd.s32 $0x40, s16;
	v5 =	vmax.f32 v4, $0.0e+00;
	v3 =	vld [tilespmem:s5+$0x80];
	(pc) =	sbr.rel @p2 .LBB2_4-.Ltmp3, $4  }
0xb4: {  	v4 =	vld.idx.msk [tilespmem:v7+s4+$0x0], $0xffff;
	[tilespmem:s16+$0x0] =	vst v5  }
0xb5: {  	v7 =	vld.idx.msk [tilespmem:v8+s20+$0x0], $0xffff  }
0xb6: {  	v5 =	vld.idx.msk [tilespmem:v6+s4+$0x0], $0xffff  }
0xb7: {  	v6 =	vld.idx.msk [tilespmem:v9+s20+$0x0], $0xffff  }
0xb8: {  	_ =	sdelay $0x3  }
0xb9: {  	v0 =	vld.idx.msk [tilespmem:v0+s4+$0x0], $0xffff  }
0xba: {  	v1 =	vld.idx.msk [tilespmem:v1+s20+$0x0], $0xffff  }
0xbb: {  	v2 =	vld.idx.msk [tilespmem:v2+s4+$0x0], $0xffff  }
0xbc: {  	v3 =	vld.idx.msk [tilespmem:v3+s20+$0x0], $0xffff;
	_ =	sdelay $0x1  }
0xbd: {  	s1 =	sand.u32 $0x1F80, s17;
	v4 =	vadd.f32 v7, v4  }
0xbe: {  	s1 =	sadd.s32 $0xA100, s1;
	v5 =	vadd.f32 v6, v5  }
0xbf: {  	s3 =	sor.u32 s3, s1;
	v4 =	vmax.f32 v4, $0.0e+00;
	v0 =	vadd.f32 v1, v0  }
0xc0: {  	s2 =	sor.u32 s2, s1;
	[tilespmem:s3+$0x0] =	vst v4;
	v2 =	vadd.f32 v3, v2;
	v1 =	vmax.f32 v5, $0.0e+00  }
0xc1: {  	s1 =	sor.u32 s15, s1;
	[tilespmem:s2+$0x0] =	vst v1;
	v0 =	vmax.f32 v0, $0.0e+00  }
0xc2: {  	s17 =	sadd.s32 $0x40, s16;
	[tilespmem:s1+$0x0] =	vst v0;
	v0 =	vmax.f32 v2, $0.0e+00  }
0xc3: {  	s25 =	simm.s32 $0xAE00;
	s28 =	simm.s32 $0x3400;
	s5 =	simm.s32 $0x1A00;
	[tilespmem:s17+$0x0] =	vst v0  }
0xc4: {  	[hbm4b:s11+s4] =	stream.linear.scatter [tilespmem:s25], [sflag:$0x5], $0xD00, $0x38;
	[tilespmem:$0xCEF0] =	vst v63  }
0xc5: {  	s29 =	sand.u32 $0x40, s5;
	s1 =	sand.u32 $0x7F00, s28;
	_ =	swait.ge [sflag:s26], $0x1A00  }
0xc6: {  	s6 =	sor.u32 $0x30, s29;
	s1 =	sadd.s32 $0x4F00, s1;
	[sflag:s26] =	ssyncset.done $0x0  }
0xc7: {  	s13 =	sor.u32 s6, s1;
	[sflag:s26] =	ssyncadd.s32 $0xFFFFE600  }
0xc8: {  	s7 =	sor.u32 $0x10, s29;
	v0 =	vld [tilespmem:s13+$0x0]  }
0xc9: {  	s8 =	sor.u32 s7, s1;
	v1 =	vld [tilespmem:s13+$0x80];
	s13 =	sor.u32 $0x20, s29  }
0xca: {  	v2 =	vld [tilespmem:s8+$0x0];
	s15 =	sor.u32 s13, s1;
	s1 =	sor.u32 s29, s1  }
0xcb: {  	v6 =	vld [tilespmem:s1+$0x0]  }
0xcc: {  	s30 =	simm.s32 $0x1A40;
	v7 =	vld [tilespmem:s1+$0x80];
	s1 =	simm.s32 $0x3480  }
0xcd: {  	s16 =	sand.u32 $0x40, s30;
	v3 =	vld [tilespmem:s8+$0x80];
	s28 =	sand.u32 $0x7F00, s1  }
0xce: {  	s3 =	sor.u32 $0x30, s16;
	v4 =	vld [tilespmem:s15+$0x0];
	s29 =	sadd.s32 $0x4F00, s28  }
0xcf: {  	v5 =	vld [tilespmem:s15+$0x80];
	s25 =	sor.u32 s3, s29  }
0xd0: {  	s2 =	sor.u32 $0x10, s16;
	v9 =	vld [tilespmem:s25+$0x0]  }
0xd1: {  	s28 =	sor.u32 s2, s29;
	v10 =	vld [tilespmem:s25+$0x80]  }
0xd2: {  	v11 =	vld [tilespmem:s28+$0x0]  }
0xd3: {  	v12 =	vld [tilespmem:s28+$0x80]  }
0xd4: {  	v8 =	vld.idx.msk [tilespmem:v0+s4+$0x0], $0xffff  }
0xd5: {  	v1 =	vld.idx.msk [tilespmem:v1+s20+$0x0], $0xffff  }
0xd6: {  	v2 =	vld.idx.msk [tilespmem:v2+s4+$0x0], $0xffff  }
0xd7: {  	v3 =	vld.idx.msk [tilespmem:v3+s20+$0x0], $0xffff  }
0xd8: {  	v4 =	vld.idx.msk [tilespmem:v4+s4+$0x0], $0xffff  }
0xd9: {  	v5 =	vld.idx.msk [tilespmem:v5+s20+$0x0], $0xffff  }
0xda: {  	s15 =	sor.u32 $0x20, s16;
	v6 =	vld.idx.msk [tilespmem:v6+s4+$0x0], $0xffff  }
0xdb: {  	s25 =	sor.u32 s15, s29;
	v7 =	vld.idx.msk [tilespmem:v7+s20+$0x0], $0xffff  }
0xdc: {  	v0 =	vld [tilespmem:s25+$0x0]  }
0xdd: {  	s5 =	sand.u32 $0x3F80, s5;
	s8 =	sor.u32 s16, s29;
	v8 =	vadd.f32 v1, v8;
	v1 =	vld [tilespmem:s25+$0x80]  }
0xde: {  	s5 =	sadd.s32 $0xA100, s5;
	v13 =	vadd.f32 v3, v2;
	v2 =	vld [tilespmem:s8+$0x0]  }
0xdf: {  	s6 =	sor.u32 s6, s5;
	v3 =	vld [tilespmem:s8+$0x80];
	v8 =	vmax.f32 v8, $0.0e+00;
	v5 =	vadd.f32 v5, v4  }
0xe0: {  	s29 =	sor.u32 s7, s5;
	v6 =	vadd.f32 v7, v6;
	v7 =	vmax.f32 v13, $0.0e+00;
	v4 =	vld.idx.msk [tilespmem:v9+s4+$0x0], $0xffff;
	[tilespmem:s6+$0x0] =	vst v8  }
0xe1: {  	s5 =	sor.u32 s13, s5;
	[tilespmem:s29+$0x0] =	vst v7;
	v7 =	vld.idx.msk [tilespmem:v10+s20+$0x0], $0xffff;
	v5 =	vmax.f32 v5, $0.0e+00  }
0xe2: {  	s16 =	simm.s32 $0xBB00;
	v6 =	vmax.f32 v6, $0.0e+00;
	[tilespmem:s5+$0x0] =	vst v5;
	v5 =	vld.idx.msk [tilespmem:v11+s4+$0x0], $0xffff  }
0xe3: {  	s17 =	simm.s32 $0x1A40;
	[tilespmem:s16+$0x0] =	vst v6;
	v6 =	vld.idx.msk [tilespmem:v12+s20+$0x0], $0xffff  }
.LBB2_6:
0xe4: {  	s30 =	sadd.s32 $0x40, s30;
	v0 =	vld.idx.msk [tilespmem:v0+s4+$0x0], $0xffff;
	s1 =	sadd.s32 $0x80, s1  }
0xe5: {  	s5 =	sand.u32 $0x40, s30;
	s6 =	sand.u32 $0x7F00, s1;
	p2 =	slt.u32 s30, $0x26C0;
	v1 =	vld.idx.msk [tilespmem:v1+s20+$0x0], $0xffff  }
0xe6: {  	s6 =	sadd.s32 $0x4F00, s6;
	s7 =	sor.u32 $0x10, s5;
	s8 =	sor.u32 $0x30, s5;
	v2 =	vld.idx.msk [tilespmem:v2+s4+$0x0], $0xffff  }
0xe7: {  	s17 =	sand.u32 $0x3F80, s17;
	s13 =	sor.u32 $0x20, s5;
	v4 =	vadd.f32 v7, v4;
	s25 =	sor.u32 s8, s6;
	v3 =	vld.idx.msk [tilespmem:v3+s20+$0x0], $0xffff  }
0xe8: {  	s17 =	sadd.s32 $0xA100, s17;
	s28 =	sor.u32 s7, s6;
	s29 =	sor.u32 s13, s6;
	v7 =	vld [tilespmem:s25+$0x0]  }
0xe9: {  	s5 =	sor.u32 s5, s6;
	s6 =	sor.u32 s2, s17;
	s2 =	sor.u32 s3, s17;
	v5 =	vadd.f32 v6, v5;
	v4 =	vmax.f32 v4, $0.0e+00;
	v8 =	vld [tilespmem:s25+$0x80]  }
0xea: {  	s25 =	sor.u32 s15, s17;
	s17 =	smov.u32 s30;
	v6 =	vld [tilespmem:s28+$0x0];
	[tilespmem:s2+$0x0] =	vst v4;
	s2 =	smov.u32 s7  }
0xeb: {  	s3 =	smov.u32 s8;
	s15 =	smov.u32 s13;
	v4 =	vmax.f32 v5, $0.0e+00;
	v5 =	vadd.f32 v1, v0;
	v9 =	vld [tilespmem:s28+$0x80]  }
0xec: {  	v0 =	vld [tilespmem:s29+$0x0];
	[tilespmem:s6+$0x0] =	vst v4  }
0xed: {  	v4 =	vadd.f32 v3, v2;
	v3 =	vmax.f32 v5, $0.0e+00;
	v1 =	vld [tilespmem:s29+$0x80]  }
0xee: {  	v2 =	vld [tilespmem:s5+$0x0];
	[tilespmem:s25+$0x0] =	vst v3  }
.Ltmp4:
0xef: {  	s16 =	sadd.s32 $0x40, s16;
	v5 =	vmax.f32 v4, $0.0e+00;
	v3 =	vld [tilespmem:s5+$0x80];
	(pc) =	sbr.rel @p2 .LBB2_6-.Ltmp4, $4  }
0xf0: {  	v4 =	vld.idx.msk [tilespmem:v7+s4+$0x0], $0xffff;
	[tilespmem:s16+$0x0] =	vst v5  }
0xf1: {  	v7 =	vld.idx.msk [tilespmem:v8+s20+$0x0], $0xffff  }
0xf2: {  	v5 =	vld.idx.msk [tilespmem:v6+s4+$0x0], $0xffff  }
0xf3: {  	v6 =	vld.idx.msk [tilespmem:v9+s20+$0x0], $0xffff  }
0xf4: {  	_ =	sdelay $0x3  }
0xf5: {  	v0 =	vld.idx.msk [tilespmem:v0+s4+$0x0], $0xffff  }
0xf6: {  	v1 =	vld.idx.msk [tilespmem:v1+s20+$0x0], $0xffff  }
0xf7: {  	v2 =	vld.idx.msk [tilespmem:v2+s4+$0x0], $0xffff  }
0xf8: {  	v3 =	vld.idx.msk [tilespmem:v3+s20+$0x0], $0xffff;
	_ =	sdelay $0x1  }
0xf9: {  	s1 =	sand.u32 $0x3F80, s17;
	v4 =	vadd.f32 v7, v4  }
0xfa: {  	s1 =	sadd.s32 $0xA100, s1;
	v5 =	vadd.f32 v6, v5  }
0xfb: {  	s3 =	sor.u32 s3, s1;
	v4 =	vmax.f32 v4, $0.0e+00;
	v0 =	vadd.f32 v1, v0  }
.Ltmp5:
0xfc: {  	s2 =	sor.u32 s2, s1;
	[tilespmem:s3+$0x0] =	vst v4;
	v2 =	vadd.f32 v3, v2;
	v62 =	vmax.f32 v5, $0.0e+00;
	(pc) =	sbr.rel @p1 .LBB2_11-.Ltmp5, $4  }
0xfd: {  	s1 =	sor.u32 s15, s1;
	[tilespmem:s2+$0x0] =	vst v62;
	v0 =	vmax.f32 v0, $0.0e+00  }
0xfe: {  	s29 =	sadd.s32 $0x40, s16;
	v63 =	vmax.f32 v2, $0.0e+00;
	[tilespmem:s1+$0x0] =	vst v0  }
0xff: {  	s30 =	simm.s32 $0xBB00;
	[tilespmem:s29+$0x0] =	vst v63  }
0x100: {  	[hbm4b:s12+s4] =	stream.linear.scatter [tilespmem:s30], [sflag:$0x5], $0xD00, $0x38;
	[tilespmem:$0xCEF0] =	vst v63  }
0x101: {  	s1 =	simm.s32 $0x4E00;
	s5 =	simm.s32 $0x2700;
	s3 =	simm.s32 $0x6  }
0x102: {  	_ =	swait.ge [sflag:s3], $0x400;
	s2 =	sand.u32 $0x40, s5;
	s1 =	sand.u32 $0x7F00, s1  }
0x103: {  	[sflag:s3] =	ssyncset.done $0x0;
	s1 =	sadd.s32 $0x4F00, s1;
	s6 =	sor.u32 $0x30, s2  }
0x104: {  	[sflag:s3] =	ssyncadd.s32 $0xFFFFFC00;
	s25 =	sor.u32 s6, s1  }
0x105: {  	s13 =	sor.u32 $0x20, s2;
	v0 =	vld [tilespmem:s25+$0x0]  }
0x106: {  	s7 =	sor.u32 $0x10, s2;
	s28 =	sor.u32 s13, s1;
	v1 =	vld [tilespmem:s25+$0x80]  }
0x107: {  	s8 =	sor.u32 s7, s1;
	s1 =	sor.u32 s2, s1;
	v4 =	vld [tilespmem:s28+$0x0]  }
0x108: {  	v6 =	vld [tilespmem:s1+$0x0]  }
0x109: {  	s30 =	simm.s32 $0x2740;
	v7 =	vld [tilespmem:s1+$0x80];
	s1 =	simm.s32 $0x4E80  }
0x10a: {  	s29 =	sand.u32 $0x40, s30;
	v5 =	vld [tilespmem:s28+$0x80];
	s28 =	sand.u32 $0x7F00, s1  }
0x10b: {  	s3 =	sor.u32 $0x30, s29;
	v2 =	vld [tilespmem:s8+$0x0];
	s16 =	sadd.s32 $0x4F00, s28  }
0x10c: {  	v3 =	vld [tilespmem:s8+$0x80];
	s15 =	sor.u32 s3, s16  }
0x10d: {  	s2 =	sor.u32 $0x10, s29;
	v9 =	vld [tilespmem:s15+$0x0]  }
0x10e: {  	s17 =	sor.u32 s2, s16;
	v10 =	vld [tilespmem:s15+$0x80]  }
0x10f: {  	v11 =	vld [tilespmem:s17+$0x0]  }
0x110: {  	v12 =	vld [tilespmem:s17+$0x80]  }
0x111: {  	v8 =	vld.idx.msk [tilespmem:v0+s4+$0x0], $0xffff  }
0x112: {  	v1 =	vld.idx.msk [tilespmem:v1+s20+$0x0], $0xffff  }
0x113: {  	v2 =	vld.idx.msk [tilespmem:v2+s4+$0x0], $0xffff  }
0x114: {  	v3 =	vld.idx.msk [tilespmem:v3+s20+$0x0], $0xffff  }
0x115: {  	v4 =	vld.idx.msk [tilespmem:v4+s4+$0x0], $0xffff  }
0x116: {  	v5 =	vld.idx.msk [tilespmem:v5+s20+$0x0], $0xffff  }
0x117: {  	s15 =	sor.u32 $0x20, s29;
	v6 =	vld.idx.msk [tilespmem:v6+s4+$0x0], $0xffff  }
0x118: {  	s25 =	sor.u32 s15, s16;
	v7 =	vld.idx.msk [tilespmem:v7+s20+$0x0], $0xffff  }
0x119: {  	v0 =	vld [tilespmem:s25+$0x0]  }
0x11a: {  	s5 =	sand.u32 $0x3F80, s5;
	s8 =	sor.u32 s29, s16;
	v8 =	vadd.f32 v1, v8;
	v1 =	vld [tilespmem:s25+$0x80]  }
0x11b: {  	s5 =	sadd.s32 $0xA100, s5;
	v13 =	vadd.f32 v3, v2;
	v2 =	vld [tilespmem:s8+$0x0]  }
0x11c: {  	s6 =	sor.u32 s6, s5;
	v5 =	vadd.f32 v5, v4;
	v3 =	vld [tilespmem:s8+$0x80];
	v8 =	vmax.f32 v8, $0.0e+00  }
0x11d: {  	s29 =	sor.u32 s7, s5;
	v6 =	vadd.f32 v7, v6;
	v4 =	vld.idx.msk [tilespmem:v9+s4+$0x0], $0xffff;
	v7 =	vmax.f32 v13, $0.0e+00;
	[tilespmem:s6+$0x0] =	vst v8  }
0x11e: {  	s5 =	sor.u32 s13, s5;
	v5 =	vmax.f32 v5, $0.0e+00;
	[tilespmem:s29+$0x0] =	vst v7;
	v7 =	vld.idx.msk [tilespmem:v10+s20+$0x0], $0xffff  }
0x11f: {  	s16 =	simm.s32 $0xC800;
	v6 =	vmax.f32 v6, $0.0e+00;
	[tilespmem:s5+$0x0] =	vst v5;
	v5 =	vld.idx.msk [tilespmem:v11+s4+$0x0], $0xffff  }
0x120: {  	s17 =	simm.s32 $0x2740;
	[tilespmem:s16+$0x0] =	vst v6;
	v6 =	vld.idx.msk [tilespmem:v12+s20+$0x0], $0xffff  }
.LBB2_9:
0x121: {  	s30 =	sadd.s32 $0x40, s30;
	v0 =	vld.idx.msk [tilespmem:v0+s4+$0x0], $0xffff;
	s1 =	sadd.s32 $0x80, s1  }
0x122: {  	s5 =	sand.u32 $0x40, s30;
	s6 =	sand.u32 $0x7F00, s1;
	p2 =	slt.u32 s30, $0x28C0;
	v1 =	vld.idx.msk [tilespmem:v1+s20+$0x0], $0xffff  }
0x123: {  	s6 =	sadd.s32 $0x4F00, s6;
	s7 =	sor.u32 $0x10, s5;
	s8 =	sor.u32 $0x30, s5;
	v2 =	vld.idx.msk [tilespmem:v2+s4+$0x0], $0xffff  }
0x124: {  	s17 =	sand.u32 $0x3F80, s17;
	v4 =	vadd.f32 v7, v4;
	s13 =	sor.u32 $0x20, s5;
	s25 =	sor.u32 s8, s6;
	v3 =	vld.idx.msk [tilespmem:v3+s20+$0x0], $0xffff  }
0x125: {  	s17 =	sadd.s32 $0xA100, s17;
	s28 =	sor.u32 s7, s6;
	s29 =	sor.u32 s13, s6;
	v7 =	vld [tilespmem:s25+$0x0]  }
0x126: {  	v5 =	vadd.f32 v6, v5;
	v4 =	vmax.f32 v4, $0.0e+00;
	s5 =	sor.u32 s5, s6;
	s6 =	sor.u32 s2, s17;
	s2 =	sor.u32 s3, s17;
	v8 =	vld [tilespmem:s25+$0x80]  }
0x127: {  	s25 =	sor.u32 s15, s17;
	s17 =	smov.u32 s30;
	v6 =	vld [tilespmem:s28+$0x0];
	[tilespmem:s2+$0x0] =	vst v4;
	s2 =	smov.u32 s7  }
0x128: {  	s3 =	smov.u32 s8;
	s15 =	smov.u32 s13;
	v4 =	vmax.f32 v5, $0.0e+00;
	v5 =	vadd.f32 v1, v0;
	v9 =	vld [tilespmem:s28+$0x80]  }
0x129: {  	v0 =	vld [tilespmem:s29+$0x0];
	[tilespmem:s6+$0x0] =	vst v4  }
0x12a: {  	v4 =	vadd.f32 v3, v2;
	v3 =	vmax.f32 v5, $0.0e+00;
	v1 =	vld [tilespmem:s29+$0x80]  }
0x12b: {  	v2 =	vld [tilespmem:s5+$0x0];
	[tilespmem:s25+$0x0] =	vst v3  }
.Ltmp6:
0x12c: {  	s16 =	sadd.s32 $0x40, s16;
	v5 =	vmax.f32 v4, $0.0e+00;
	v3 =	vld [tilespmem:s5+$0x80];
	(pc) =	sbr.rel @p2 .LBB2_9-.Ltmp6, $4  }
0x12d: {  	v4 =	vld.idx.msk [tilespmem:v7+s4+$0x0], $0xffff;
	[tilespmem:s16+$0x0] =	vst v5  }
0x12e: {  	v7 =	vld.idx.msk [tilespmem:v8+s20+$0x0], $0xffff  }
0x12f: {  	v5 =	vld.idx.msk [tilespmem:v6+s4+$0x0], $0xffff  }
0x130: {  	v6 =	vld.idx.msk [tilespmem:v9+s20+$0x0], $0xffff  }
.Ltmp7:
0x131: {  	_ = 	snop;
	(pc) =	sbr.rel .LBB2_10-.Ltmp7, $1  }
0x132: {  	_ =	sdelay $0x3  }
.LBB2_12:
0x133: {  	_ =	sfence.sel $0x180000  }
0x134: {  	[bflag:$0x0] =	sbarrier.arrive $0xFFFF  }
0x135: {  	_ =	strace $0x90000047  }
0x136: {  	[bflag:$0x2] =	sbarrier.arrive $0xFFFF  }
0x137: {  	s0 =	rddreg [dreg:$0x5]  }
0x138: {  	s0 =	sadd.s32 @!p0 $0x100000, s0  }
0x139: {  	[sflag:s0] =	ssyncadd.tile.s32 @!p0 $0x1;
	_ =	shalt  }
.Lfunc_end2:
_tile_overlayer_lowered:
.L_overlay_start_2:
0x13a: {  	(tag) =	ssettag $0x2  }
0x13b: {  	s0 =	rddreg [dreg:$0x0];
	s2 =	stileid.u32  }
0x13c: {  	s1 =	rddreg [dreg:$0x1];
	p0 =	sne.s32 s2, $0x0  }
0x13d: {  	s3 =	rddreg [dreg:$0x2];
	[bflag:$0x3] =	sbarrier.arrive $0xFFFF;
	s2 =	simm.s32 @!p0 $0x1C07  }
0x13e: {  	[timem:s3], [sflag:s2] =	dma.local @!p0 [hbm:s0], s1  }
0x13f: {  	s0 =	simm.s32 @!p0 $0x7  }
0x140: {  	_ =	swait.ge @!p0 [sflag:s0], s1  }
0x141: {  	s1 =	ssub.s32 @!p0 $0x0, s1;
	[sflag:s0] =	ssyncset.done @!p0 $0x0  }
0x142: {  	[sflag:s0] =	ssyncadd.s32 @!p0 s1  }
0x143: {  	[bflag:$0x3] =	sbarrier.arrive $0xFFFF  }
0x144: {  	_ =	shalt  }

</sc_bundles>
